<compile_context>
chip_gen: v7x
topology: tpu7x:2x2x1
jax: 0.10.2.dev20260603
libtpu: 0.0.44.dev20260713+nightly
codegen_flags: <defaults>
</compile_context>

<pallas_src>
import functools

import jax
import jax.numpy as jnp
from jax import lax
from jax.experimental import pallas as pl
from jax.experimental.pallas import tpu as pltpu
from jax.experimental.pallas import tpu_sc as plsc

_D = 32
_NUM_CORES = 2
_NUM_SUBCORES = 16
_NW = _NUM_CORES * _NUM_SUBCORES
_C = 512
_BATCH = 16384
_HIST = 50
_TOTAL = _BATCH * _HIST
_CHUNKS_PER_H = _BATCH // _C
_N_CHUNKS = _TOTAL // _C
_CPW = _N_CHUNKS // _NW


@jax.jit
def _sc_repack(table_t):
    mesh = plsc.VectorSubcoreMesh(core_axis_name="c", subcore_axis_name="s")
    n_full = 7812

    @functools.partial(
        pl.kernel,
        mesh=mesh,
        out_type=jax.ShapeDtypeStruct((250000, 128), jnp.float32),
        compiler_params=pltpu.CompilerParams(needs_layout_passes=False),
        scratch_types=[
            pltpu.VMEM((2, 32, 129), jnp.float32),
            pltpu.VMEM((2, 32, 128), jnp.float32),
            pltpu.SemaphoreType.DMA,
            pltpu.SemaphoreType.DMA,
            pltpu.SemaphoreType.DMA,
            pltpu.SemaphoreType.DMA,
        ],
    )
    def k(tt_hbm, out_hbm, in_v, out_v, is0, is1, os0, os1):
        wid = lax.axis_index("s") * _NUM_CORES + lax.axis_index("c")
        base = wid * 244 + jnp.minimum(wid, 4)
        cnt = jnp.where(wid < 4, 245, 244)
        iota = jax.lax.iota(jnp.int32, 16)
        jv = (iota, iota + 16)
        isems = (is0, is1)
        osems = (os0, os1)

        def transpose_block(b, tmax):
            @plsc.parallel_loop(0, tmax, step=1, unroll=8)
            def _(t):
                tv = iota * 0 + t
                p = lax.shift_right_logical(t, 2)
                col = lax.shift_left(jnp.bitwise_and(t, 3), 5)
                for jg in range(2):
                    vals = plsc.load_gather(in_v.at[b], [jv[jg], tv])
                    out_v[b, p, pl.ds(col + jg * 16, 16)] = vals

        def start_in(blk, b):
            return pltpu.async_copy(
                tt_hbm.at[:, pl.ds(blk * 128, 128)],
                in_v.at[b, :, pl.ds(0, 128)],
                isems[b],
            )

        def do_block(blk, b, live, has_prev):
            @pl.when(live)
            def _():
                pltpu.make_async_copy(
                    tt_hbm.at[:, pl.ds(blk * 128, 128)],
                    in_v.at[b, :, pl.ds(0, 128)],
                    isems[b],
                ).wait()

                @pl.when(has_prev)
                def _():
                    pltpu.make_async_copy(
                        out_v.at[b],
                        out_hbm.at[pl.ds((blk - 2) * 32, 32)],
                        osems[b],
                    ).wait()

                transpose_block(b, 128)
                start_in(jnp.minimum(blk + 2, base + cnt - 1), b)
                pltpu.async_copy(
                    out_v.at[b], out_hbm.at[pl.ds(blk * 32, 32)], osems[b]
                )

        start_in(base, 0)
        start_in(base + 1, 1)

        def pair_body(t2, _):
            blk0 = base + 2 * t2
            do_block(blk0, 0, 2 * t2 < cnt, t2 > 0)
            do_block(blk0 + 1, 1, 2 * t2 + 1 < cnt, t2 > 0)
            return 0

        lax.fori_loop(0, 123, pair_body, 0)
        last0 = base + jnp.where(cnt == 245, 244, 242)
        last1 = base + 243
        for b, last in ((0, last0), (1, last1)):
            pltpu.make_async_copy(
                out_v.at[b], out_hbm.at[pl.ds(last * 32, 32)], osems[b]
            ).wait()
        for b in (0, 1):
            pltpu.make_async_copy(
                tt_hbm.at[:, pl.ds((base + cnt - 1) * 128, 128)],
                in_v.at[b, :, pl.ds(0, 128)], isems[b],
            ).wait()

        @pl.when(wid == 31)
        def _():
            c0t = pl.multiple_of(lax.max(jnp.int32(999936), wid), 128)
            pltpu.sync_copy(tt_hbm.at[:, pl.ds(c0t, 128)],
                            in_v.at[0, :, pl.ds(0, 128)])
            transpose_block(0, 64)
            pltpu.sync_copy(out_v.at[0, pl.ds(0, 16)],
                            out_hbm.at[pl.ds(250000 - 16, 16)])

    return k(table_t)


@jax.jit
def _sc_gather(table_linear, idx_flat):
    mesh = plsc.VectorSubcoreMesh(core_axis_name="c", subcore_axis_name="s")

    @functools.partial(
        pl.kernel,
        mesh=mesh,
        out_type=jax.ShapeDtypeStruct((_TOTAL * _D // 128, 128), jnp.float32),
        compiler_params=pltpu.CompilerParams(
            use_tc_tiling_on_sc=False, needs_layout_passes=False
        ),
        scratch_types=[
            pltpu.VMEM((2, _C), jnp.int32),
            pltpu.VMEM((2, _C, _D), jnp.float32),
            pltpu.VMEM((2, 4, 32, 129), jnp.float32),
            pltpu.SemaphoreType.DMA,
            pltpu.SemaphoreType.DMA,
            pltpu.SemaphoreType.DMA,
            pltpu.SemaphoreType.DMA,
            pltpu.SemaphoreType.DMA,
            pltpu.SemaphoreType.DMA,
        ],
    )
    def k(table_hbm, idx_hbm, out_hbm, idx_v, rows_v, out_v, isem0, isem1,
          gsem0, gsem1, osem0, osem1):
        wid = lax.axis_index("s") * _NUM_CORES + lax.axis_index("c")
        m_base = wid * _CPW
        m_last = m_base + _CPW - 1
        iota = jax.lax.iota(jnp.int32, 16)
        jt0 = lax.shift_right_logical(iota, 3)
        jt1 = jt0 + 2
        jspat = jnp.bitwise_and(iota, 7)
        isems = (isem0, isem1)
        gsems = (gsem0, gsem1)
        osems = (osem0, osem1)

        for b in (0, 1):
            pltpu.async_copy(
                idx_hbm.at[pl.ds((m_base + b) * _C, _C)], idx_v.at[b],
                isems[b],
            )
        pltpu.make_async_copy(
            idx_hbm.at[pl.ds(m_base * _C, _C)], idx_v.at[0], isems[0]
        ).wait()
        pltpu.async_copy(table_hbm.at[idx_v.at[0]], rows_v.at[0], gsems[0])

        def do_chunk(m, b):
            nb = 1 - b
            pltpu.make_async_copy(
                table_hbm.at[idx_v.at[b]], rows_v.at[b], gsems[b]
            ).wait()
            m2 = jnp.minimum(m + 2, m_last)
            pltpu.async_copy(
                idx_hbm.at[pl.ds(m2 * _C, _C)], idx_v.at[b], isems[b]
            )
            @pl.when(m + 1 <= m_last)
            def _():
                pltpu.make_async_copy(
                    idx_hbm.at[pl.ds((m + 1) * _C, _C)], idx_v.at[nb],
                    isems[nb],
                ).wait()
                pltpu.async_copy(
                    table_hbm.at[idx_v.at[nb]], rows_v.at[nb], gsems[nb]
                )
            rows = rows_v.at[b]
            blk = out_v.at[b]

            @plsc.parallel_loop(0, _C, step=1, unroll=8)
            def _(r):
                rowv = jspat + lax.shift_left(
                    lax.shift_right_logical(r, 7), 3)
                colv = jt0 * 0 + jnp.bitwise_and(r, 127)
                plsc.store_scatter(blk, [jt0, rowv, colv],
                                   rows[r, pl.ds(0, 16)])
                plsc.store_scatter(blk, [jt1, rowv, colv],
                                   rows[r, pl.ds(16, 16)])
            h = lax.shift_right_logical(m, 5)
            bsub = jnp.bitwise_and(m, 31)
            outs = []
            for jt in range(4):
                dst = h * 4096 + jt * 1024 + bsub * 32
                outs.append(pltpu.async_copy(
                    blk.at[jt, :, pl.ds(0, 128)],
                    out_hbm.at[pl.ds(dst, 32)],
                    osems[b],
                ))
            return outs

        def pair_body(t2, _):
            m0 = m_base + 2 * t2
            outs0 = do_chunk(m0, 0)
            outs1 = do_chunk(m0 + 1, 1)
            for d in outs0 + outs1:
                d.wait()
            return 0

        lax.fori_loop(0, _CPW // 2, pair_body, 0)
        for b in (0, 1):
            pltpu.make_async_copy(
                idx_hbm.at[pl.ds(m_last * _C, _C)], idx_v.at[b], isems[b]
            ).wait()

    return k(table_linear, idx_flat)


def kernel(x, table):
    vocab = table.shape[0]
    idx_flat = x.T.reshape(-1).astype(jnp.int32)
    packed = _sc_repack(table.T)
    table_linear = packed.reshape(vocab, _D)
    packed_out = _sc_gather(table_linear, idx_flat)
    out5 = packed_out.reshape(_HIST, 4, _BATCH // 128, 8, 128)
    return out5.transpose(2, 4, 0, 1, 3).reshape(_BATCH, _HIST, _D)

# --- scband reference (transcript-rebuilt; emitter-appended) ---
"""Pipeline reference for scband-simple-embedding-encoder-1606317769483 (READ-ONLY COPY).

The authoritative reference and input builder live on the scoring server;
editing this copy changes nothing except your own understanding.
"""

import jax, jax.numpy as jnp
import numpy as np

VOCAB = 1000000
EMBED_DIM = 32
BATCH = 16384
HIST = 50

def setup_inputs(seed: int = 0) -> dict:
    key = jax.random.key(seed)
    k_idx, k_tab = jax.random.split(key)
    x = jax.random.randint(k_idx, (BATCH, HIST), 0, VOCAB, dtype=jnp.int64)
    table = jax.random.normal(k_tab, (VOCAB, EMBED_DIM), dtype=jnp.float32) * 0.02
    return {"x": x, "table": table}

def reference(x, table):
    # nn.Embedding forward: gather rows of the table by index
    return jnp.take(table, x, axis=0)

if __name__ == "__main__":
    import jax
    _d = setup_inputs()
    print(jax.jit(kernel)(*tuple(_d.values())))

</pallas_src>

<mosaic_0001>
#map = affine_map<(d0, d1) -> (0, 0)>
module attributes {stable_mosaic.version = 14 : i64} {
  func.func @k(%arg0: i32, %arg1: i32, %arg2: memref<32x1000000xf32, #tpu.memory_space<hbm>>, %arg3: memref<250000x128xf32, #tpu.memory_space<hbm>>, %arg4: memref<2x32x129xf32, #tpu.memory_space<vmem>>, %arg5: memref<2x32x128xf32, #tpu.memory_space<vmem>>, %arg6: memref<!tpu.dma_semaphore, #tpu.memory_space<semaphore_mem>>, %arg7: memref<!tpu.dma_semaphore, #tpu.memory_space<semaphore_mem>>, %arg8: memref<!tpu.dma_semaphore, #tpu.memory_space<semaphore_mem>>, %arg9: memref<!tpu.dma_semaphore, #tpu.memory_space<semaphore_mem>>) attributes {dimension_semantics = [#tpu.dimension_semantics<core_parallel>, #tpu.dimension_semantics<subcore_parallel>], iteration_bounds = array<i64: 2, 16>, scalar_prefetch = 0 : i64, scratch_operands = 6 : i64, tpu.core_type = #tpu.core_type<sc_vector_subcore>, window_params = [{transform_indices = #map}, {transform_indices = #map}]} {
    %mul3A = arith.constant 2 : i32
    %mul3A_0 = arith.muli %arg1, %mul3A : i32
    %add3A = arith.addi %mul3A_0, %arg0 : i32
    %mul3A_1 = arith.constant 244 : i32
    %mul3A_2 = arith.muli %add3A, %mul3A_1 : i32
    %min3A = arith.constant 4 : i32
    %min3A_3 = arith.minsi %add3A, %min3A : i32
    %add3A_4 = arith.addi %mul3A_2, %min3A_3 : i32
    %lt3A = arith.constant 4 : i32
    %lt3A_5 = arith.cmpi slt, %add3A, %lt3A : i32
    %jit3A = arith.constant 245 : i32
    %jit3A_6 = arith.constant 244 : i32
    %select_n3A = arith.select %lt3A_5, %jit3A, %jit3A_6 : i32
    %iota3A = tpu.iota {dimensions = array<i32: 0>} : vector<16xi32>
    %add3A_7 = arith.constant 16 : i32
    %add3A_8 = vector.broadcast %add3A_7 : i32 to vector<16xi32>
    %add3A_9 = arith.addi %iota3A, %add3A_8 : vector<16xi32>
    %mul3A_10 = arith.constant 128 : i32
    %mul3A_11 = arith.muli %add3A_4, %mul3A_10 : i32
    %dma_start3A = arith.constant 0 : i32
    %dma_start3A_12 = arith.constant 0 : i32
    %dma_start3A_13 = arith.constant 0 : i32
    %dma_start3A_14 = tpu.memref_slice %arg4[%dma_start3A, %dma_start3A_12, %dma_start3A_13] : memref<2x32x129xf32, #tpu.memory_space<vmem>> -> memref<1x32x128xf32, #tpu.memory_space<vmem>>
    %dma_start3A_15 = tpu.memref_squeeze %dma_start3A_14 : memref<1x32x128xf32, #tpu.memory_space<vmem>> -> memref<32x128xf32, #tpu.memory_space<vmem>>
    %dma_start3A_16 = arith.constant 0 : i32
    %dma_start3A_17 = tpu.memref_slice %arg2[%dma_start3A_16, %mul3A_11] : memref<32x1000000xf32, #tpu.memory_space<hbm>> -> memref<32x128xf32, #tpu.memory_space<hbm>>
    %dma_start3A_18 = arith.constant 0 : i32
    %dma_start3A_19 = arith.constant 0 : i32
    %dma_start3A_20 = tpu.memref_slice %arg4[%dma_start3A, %dma_start3A_18, %dma_start3A_19] : memref<2x32x129xf32, #tpu.memory_space<vmem>> -> memref<1x32x128xf32, #tpu.memory_space<vmem>>
    %dma_start3A_21 = tpu.memref_squeeze %dma_start3A_20 : memref<1x32x128xf32, #tpu.memory_space<vmem>> -> memref<32x128xf32, #tpu.memory_space<vmem>>
    %dma_start3A_22 = arith.constant 0 : i32
    %dma_start3A_23 = tpu.memref_slice %arg2[%dma_start3A_22, %mul3A_11] : memref<32x1000000xf32, #tpu.memory_space<hbm>> -> memref<32x128xf32, #tpu.memory_space<hbm>>
    tpu.enqueue_dma source(%dma_start3A_23 : memref<32x128xf32, #tpu.memory_space<hbm>>) target(%dma_start3A_21 : memref<32x128xf32, #tpu.memory_space<vmem>>) target_semaphore(%arg6 : memref<!tpu.dma_semaphore, #tpu.memory_space<semaphore_mem>>)
    %add3A_24 = arith.constant 1 : i32
    %add3A_25 = arith.addi %add3A_4, %add3A_24 : i32
    %mul3A_26 = arith.constant 128 : i32
    %mul3A_27 = arith.muli %add3A_25, %mul3A_26 : i32
    %dma_start3A_28 = arith.constant 1 : i32
    %dma_start3A_29 = arith.constant 0 : i32
    %dma_start3A_30 = arith.constant 0 : i32
    %dma_start3A_31 = tpu.memref_slice %arg4[%dma_start3A_28, %dma_start3A_29, %dma_start3A_30] : memref<2x32x129xf32, #tpu.memory_space<vmem>> -> memref<1x32x128xf32, #tpu.memory_space<vmem>>
    %dma_start3A_32 = tpu.memref_squeeze %dma_start3A_31 : memref<1x32x128xf32, #tpu.memory_space<vmem>> -> memref<32x128xf32, #tpu.memory_space<vmem>>
    %dma_start3A_33 = arith.constant 0 : i32
    %dma_start3A_34 = tpu.memref_slice %arg2[%dma_start3A_33, %mul3A_27] : memref<32x1000000xf32, #tpu.memory_space<hbm>> -> memref<32x128xf32, #tpu.memory_space<hbm>>
    %dma_start3A_35 = arith.constant 0 : i32
    %dma_start3A_36 = arith.constant 0 : i32
    %dma_start3A_37 = tpu.memref_slice %arg4[%dma_start3A_28, %dma_start3A_35, %dma_start3A_36] : memref<2x32x129xf32, #tpu.memory_space<vmem>> -> memref<1x32x128xf32, #tpu.memory_space<vmem>>
    %dma_start3A_38 = tpu.memref_squeeze %dma_start3A_37 : memref<1x32x128xf32, #tpu.memory_space<vmem>> -> memref<32x128xf32, #tpu.memory_space<vmem>>
    %dma_start3A_39 = arith.constant 0 : i32
    %dma_start3A_40 = tpu.memref_slice %arg2[%dma_start3A_39, %mul3A_27] : memref<32x1000000xf32, #tpu.memory_space<hbm>> -> memref<32x128xf32, #tpu.memory_space<hbm>>
    tpu.enqueue_dma source(%dma_start3A_40 : memref<32x128xf32, #tpu.memory_space<hbm>>) target(%dma_start3A_38 : memref<32x128xf32, #tpu.memory_space<vmem>>) target_semaphore(%arg7 : memref<!tpu.dma_semaphore, #tpu.memory_space<semaphore_mem>>)
    %scan3A = arith.constant 0 : i32
    %scan3A_41 = arith.constant 0 : i32
    %scan3A_42 = arith.constant 123 : i32
    %scan3A_43 = arith.addi %scan3A_41, %scan3A_42 : i32
    %scan3A_44 = arith.constant 1 : i32
    %scan3A_45 = scf.for %scan3A_121 = %scan3A_41 to %scan3A_43 step %scan3A_44 iter_args(%scan3A_122 = %scan3A) -> (i32)  : i32 {
      %mul3A_123 = arith.constant 2 : i32
      %mul3A_124 = arith.muli %mul3A_123, %scan3A_121 : i32
      %add3A_125 = arith.addi %add3A_4, %mul3A_124 : i32
      %mul3A_126 = arith.constant 2 : i32
      %mul3A_127 = arith.muli %mul3A_126, %scan3A_121 : i32
      %lt3A_128 = arith.cmpi slt, %mul3A_127, %select_n3A : i32
      %gt3A = arith.constant 0 : i32
      %gt3A_129 = arith.cmpi sgt, %scan3A_121, %gt3A : i32
      %convert_element_type3A_130 = arith.extui %lt3A_128 : i1 to i32
      %cond3A_131 = arith.constant 0 : i32
      %cond3A_132 = arith.cmpi ne, %convert_element_type3A_130, %cond3A_131 : i32
      scf.if %cond3A_132 {
        %mul3A_146 = arith.constant 128 : i32
        %mul3A_147 = arith.muli %add3A_125, %mul3A_146 : i32
        %dma_wait3A_148 = arith.constant 0 : i32
        %dma_wait3A_149 = arith.constant 0 : i32
        %dma_wait3A_150 = arith.constant 0 : i32
        %dma_wait3A_151 = tpu.memref_slice %arg4[%dma_wait3A_148, %dma_wait3A_149, %dma_wait3A_150] : memref<2x32x129xf32, #tpu.memory_space<vmem>> -> memref<1x32x128xf32, #tpu.memory_space<vmem>>
        %dma_wait3A_152 = tpu.memref_squeeze %dma_wait3A_151 : memref<1x32x128xf32, #tpu.memory_space<vmem>> -> memref<32x128xf32, #tpu.memory_space<vmem>>
        %dma_wait3A_153 = arith.constant 0 : i32
        %dma_wait3A_154 = tpu.memref_slice %arg2[%dma_wait3A_153, %mul3A_147] : memref<32x1000000xf32, #tpu.memory_space<hbm>> -> memref<32x128xf32, #tpu.memory_space<hbm>>
        %dma_wait3A_155 = arith.constant 0 : i32
        %dma_wait3A_156 = arith.constant 0 : i32
        %dma_wait3A_157 = tpu.memref_slice %arg4[%dma_wait3A_148, %dma_wait3A_155, %dma_wait3A_156] : memref<2x32x129xf32, #tpu.memory_space<vmem>> -> memref<1x32x128xf32, #tpu.memory_space<vmem>>
        %dma_wait3A_158 = tpu.memref_squeeze %dma_wait3A_157 : memref<1x32x128xf32, #tpu.memory_space<vmem>> -> memref<32x128xf32, #tpu.memory_space<vmem>>
        %dma_wait3A_159 = arith.constant 0 : i32
        %dma_wait3A_160 = tpu.memref_slice %arg2[%dma_wait3A_159, %mul3A_147] : memref<32x1000000xf32, #tpu.memory_space<hbm>> -> memref<32x128xf32, #tpu.memory_space<hbm>>
        tpu.wait_dma2 semaphore(%arg6 : memref<!tpu.dma_semaphore, #tpu.memory_space<semaphore_mem>>) src(%dma_wait3A_160 : memref<32x128xf32, #tpu.memory_space<hbm>>) dst(%dma_wait3A_158 : memref<32x128xf32, #tpu.memory_space<vmem>>)
        %convert_element_type3A_161 = arith.extui %gt3A_129 : i1 to i32
        %cond3A_162 = arith.constant 0 : i32
        %cond3A_163 = arith.cmpi ne, %convert_element_type3A_161, %cond3A_162 : i32
        scf.if %cond3A_163 {
          %sub3A_202 = arith.constant 2 : i32
          %sub3A_203 = arith.subi %add3A_125, %sub3A_202 : i32
          %mul3A_204 = arith.constant 32 : i32
          %mul3A_205 = arith.muli %sub3A_203, %mul3A_204 : i32
          %dma_wait3A_206 = arith.constant 0 : i32
          %dma_wait3A_207 = arith.constant 0 : i32
          %dma_wait3A_208 = arith.constant 0 : i32
          %dma_wait3A_209 = tpu.memref_slice %arg5[%dma_wait3A_206, %dma_wait3A_207, %dma_wait3A_208] : memref<2x32x128xf32, #tpu.memory_space<vmem>> -> memref<1x32x128xf32, #tpu.memory_space<vmem>>
          %dma_wait3A_210 = tpu.memref_squeeze %dma_wait3A_209 : memref<1x32x128xf32, #tpu.memory_space<vmem>> -> memref<32x128xf32, #tpu.memory_space<vmem>>
          %dma_wait3A_211 = arith.constant 0 : i32
          %dma_wait3A_212 = tpu.memref_slice %arg3[%mul3A_205, %dma_wait3A_211] : memref<250000x128xf32, #tpu.memory_space<hbm>> -> memref<32x128xf32, #tpu.memory_space<hbm>>
          %dma_wait3A_213 = arith.constant 0 : i32
          %dma_wait3A_214 = tpu.memref_slice %arg3[%mul3A_205, %dma_wait3A_213] : memref<250000x128xf32, #tpu.memory_space<hbm>> -> memref<32x128xf32, #tpu.memory_space<hbm>>
          %dma_wait3A_215 = arith.constant 0 : i32
          %dma_wait3A_216 = arith.constant 0 : i32
          %dma_wait3A_217 = tpu.memref_slice %arg5[%dma_wait3A_206, %dma_wait3A_215, %dma_wait3A_216] : memref<2x32x128xf32, #tpu.memory_space<vmem>> -> memref<1x32x128xf32, #tpu.memory_space<vmem>>
          %dma_wait3A_218 = tpu.memref_squeeze %dma_wait3A_217 : memref<1x32x128xf32, #tpu.memory_space<vmem>> -> memref<32x128xf32, #tpu.memory_space<vmem>>
          tpu.wait_dma2 semaphore(%arg8 : memref<!tpu.dma_semaphore, #tpu.memory_space<semaphore_mem>>) src(%dma_wait3A_218 : memref<32x128xf32, #tpu.memory_space<vmem>>) dst(%dma_wait3A_214 : memref<32x128xf32, #tpu.memory_space<hbm>>)
        } else {
        }
        %parallel_loop3A = arith.constant 0 : i32
        %parallel_loop3A_164 = arith.constant 128 : i32
        %parallel_loop3A_165 = arith.constant 1 : i32
        scf.for %parallel_loop3A_202 = %parallel_loop3A to %parallel_loop3A_164 step %parallel_loop3A_165  : i32 {
          %parallel_loop3A_203 = arith.constant 0 : i32
          %parallel_loop3A_204 = vector.broadcast %parallel_loop3A_203 : i32 to vector<16xi32>
          %parallel_loop3A_205 = arith.muli %iota3A, %parallel_loop3A_204 : vector<16xi32>
          %parallel_loop3A_206 = vector.broadcast %parallel_loop3A_202 : i32 to vector<16xi32>
          %parallel_loop3A_207 = arith.addi %parallel_loop3A_205, %parallel_loop3A_206 : vector<16xi32>
          %parallel_loop3A_208 = arith.constant 2 : i32
          %parallel_loop3A_209 = arith.shrui %parallel_loop3A_202, %parallel_loop3A_208 : i32
          %parallel_loop3A_210 = arith.constant 3 : i32
          %parallel_loop3A_211 = arith.andi %parallel_loop3A_202, %parallel_loop3A_210 : i32
          %parallel_loop3A_212 = arith.constant 5 : i32
          %parallel_loop3A_213 = arith.shli %parallel_loop3A_211, %parallel_loop3A_212 : i32
          %parallel_loop3A_214 = arith.constant 0 : i32
          %parallel_loop3A_215 = arith.constant 0 : i32
          %parallel_loop3A_216 = arith.constant 0 : i32
          %parallel_loop3A_217 = tpu.memref_slice %arg4[%parallel_loop3A_214, %parallel_loop3A_215, %parallel_loop3A_216] : memref<2x32x129xf32, #tpu.memory_space<vmem>> -> memref<1x32x129xf32, #tpu.memory_space<vmem>>
          %parallel_loop3A_218 = tpu.memref_squeeze %parallel_loop3A_217 : memref<1x32x129xf32, #tpu.memory_space<vmem>> -> memref<32x129xf32, #tpu.memory_space<vmem>>
          %parallel_loop3A_219 = tpu.vector_load_idx %parallel_loop3A_218[%iota3A, %parallel_loop3A_207] : memref<32x129xf32, #tpu.memory_space<vmem>>[vector<16xi32>, vector<16xi32>], vector<16xf32>,
          %parallel_loop3A_220 = arith.constant 0 : i32
          %parallel_loop3A_221 = arith.addi %parallel_loop3A_213, %parallel_loop3A_220 : i32
          %parallel_loop3A_222 = arith.constant 0 : i32
          %parallel_loop3A_223 = arith.index_cast %parallel_loop3A_222 : i32 to index
          %parallel_loop3A_224 = arith.index_cast %parallel_loop3A_209 : i32 to index
          %parallel_loop3A_225 = arith.index_cast %parallel_loop3A_221 : i32 to index
          %parallel_loop3A_226 = tpu.vector_load %arg5[%parallel_loop3A_223, %parallel_loop3A_224, %parallel_loop3A_225] {strides = array<i32>} : memref<2x32x128xf32, #tpu.memory_space<vmem>>, vector<16xf32>,
          tpu.vector_store %arg5[%parallel_loop3A_223, %parallel_loop3A_224, %parallel_loop3A_225], %parallel_loop3A_219 {strides = array<i32>} : memref<2x32x128xf32, #tpu.memory_space<vmem>>, vector<16xf32>,
          %parallel_loop3A_227 = arith.constant 0 : i32
          %parallel_loop3A_228 = arith.constant 0 : i32
          %parallel_loop3A_229 = arith.constant 0 : i32
          %parallel_loop3A_230 = tpu.memref_slice %arg4[%parallel_loop3A_227, %parallel_loop3A_228, %parallel_loop3A_229] : memref<2x32x129xf32, #tpu.memory_space<vmem>> -> memref<1x32x129xf32, #tpu.memory_space<vmem>>
          %parallel_loop3A_231 = tpu.memref_squeeze %parallel_loop3A_230 : memref<1x32x129xf32, #tpu.memory_space<vmem>> -> memref<32x129xf32, #tpu.memory_space<vmem>>
          %parallel_loop3A_232 = tpu.vector_load_idx %parallel_loop3A_231[%add3A_9, %parallel_loop3A_207] : memref<32x129xf32, #tpu.memory_space<vmem>>[vector<16xi32>, vector<16xi32>], vector<16xf32>,
          %parallel_loop3A_233 = arith.constant 16 : i32
          %parallel_loop3A_234 = arith.addi %parallel_loop3A_213, %parallel_loop3A_233 : i32
          %parallel_loop3A_235 = arith.constant 0 : i32
          %parallel_loop3A_236 = arith.index_cast %parallel_loop3A_235 : i32 to index
          %parallel_loop3A_237 = arith.index_cast %parallel_loop3A_209 : i32 to index
          %parallel_loop3A_238 = arith.index_cast %parallel_loop3A_234 : i32 to index
          %parallel_loop3A_239 = tpu.vector_load %arg5[%parallel_loop3A_236, %parallel_loop3A_237, %parallel_loop3A_238] {strides = array<i32>} : memref<2x32x128xf32, #tpu.memory_space<vmem>>, vector<16xf32>,
          tpu.vector_store %arg5[%parallel_loop3A_236, %parallel_loop3A_237, %parallel_loop3A_238], %parallel_loop3A_232 {strides = array<i32>} : memref<2x32x128xf32, #tpu.memory_space<vmem>>, vector<16xf32>,
        } {sc.loop_unroll_factor = 8 : i64, sc.parallel_access}
        %add3A_166 = arith.constant 2 : i32
        %add3A_167 = arith.addi %add3A_125, %add3A_166 : i32
        %add3A_168 = arith.addi %add3A_4, %select_n3A : i32
        %sub3A_169 = arith.constant 1 : i32
        %sub3A_170 = arith.subi %add3A_168, %sub3A_169 : i32
        %min3A_171 = arith.minsi %add3A_167, %sub3A_170 : i32
        %mul3A_172 = arith.constant 128 : i32
        %mul3A_173 = arith.muli %min3A_171, %mul3A_172 : i32
        %dma_start3A_174 = arith.constant 0 : i32
        %dma_start3A_175 = arith.constant 0 : i32
        %dma_start3A_176 = arith.constant 0 : i32
        %dma_start3A_177 = tpu.memref_slice %arg4[%dma_start3A_174, %dma_start3A_175, %dma_start3A_176] : memref<2x32x129xf32, #tpu.memory_space<vmem>> -> memref<1x32x128xf32, #tpu.memory_space<vmem>>
        %dma_start3A_178 = tpu.memref_squeeze %dma_start3A_177 : memref<1x32x128xf32, #tpu.memory_space<vmem>> -> memref<32x128xf32, #tpu.memory_space<vmem>>
        %dma_start3A_179 = arith.constant 0 : i32
        %dma_start3A_180 = tpu.memref_slice %arg2[%dma_start3A_179, %mul3A_173] : memref<32x1000000xf32, #tpu.memory_space<hbm>> -> memref<32x128xf32, #tpu.memory_space<hbm>>
        %dma_start3A_181 = arith.constant 0 : i32
        %dma_start3A_182 = arith.constant 0 : i32
        %dma_start3A_183 = tpu.memref_slice %arg4[%dma_start3A_174, %dma_start3A_181, %dma_start3A_182] : memref<2x32x129xf32, #tpu.memory_space<vmem>> -> memref<1x32x128xf32, #tpu.memory_space<vmem>>
        %dma_start3A_184 = tpu.memref_squeeze %dma_start3A_183 : memref<1x32x128xf32, #tpu.memory_space<vmem>> -> memref<32x128xf32, #tpu.memory_space<vmem>>
        %dma_start3A_185 = arith.constant 0 : i32
        %dma_start3A_186 = tpu.memref_slice %arg2[%dma_start3A_185, %mul3A_173] : memref<32x1000000xf32, #tpu.memory_space<hbm>> -> memref<32x128xf32, #tpu.memory_space<hbm>>
        tpu.enqueue_dma source(%dma_start3A_186 : memref<32x128xf32, #tpu.memory_space<hbm>>) target(%dma_start3A_184 : memref<32x128xf32, #tpu.memory_space<vmem>>) target_semaphore(%arg6 : memref<!tpu.dma_semaphore, #tpu.memory_space<semaphore_mem>>)
        %mul3A_187 = arith.constant 32 : i32
        %mul3A_188 = arith.muli %add3A_125, %mul3A_187 : i32
        %dma_start3A_189 = arith.constant 0 : i32
        %dma_start3A_190 = arith.constant 0 : i32
        %dma_start3A_191 = arith.constant 0 : i32
        %dma_start3A_192 = tpu.memref_slice %arg5[%dma_start3A_189, %dma_start3A_190, %dma_start3A_191] : memref<2x32x128xf32, #tpu.memory_space<vmem>> -> memref<1x32x128xf32, #tpu.memory_space<vmem>>
        %dma_start3A_193 = tpu.memref_squeeze %dma_start3A_192 : memref<1x32x128xf32, #tpu.memory_space<vmem>> -> memref<32x128xf32, #tpu.memory_space<vmem>>
        %dma_start3A_194 = arith.constant 0 : i32
        %dma_start3A_195 = tpu.memref_slice %arg3[%mul3A_188, %dma_start3A_194] : memref<250000x128xf32, #tpu.memory_space<hbm>> -> memref<32x128xf32, #tpu.memory_space<hbm>>
        %dma_start3A_196 = arith.constant 0 : i32
        %dma_start3A_197 = tpu.memref_slice %arg3[%mul3A_188, %dma_start3A_196] : memref<250000x128xf32, #tpu.memory_space<hbm>> -> memref<32x128xf32, #tpu.memory_space<hbm>>
        %dma_start3A_198 = arith.constant 0 : i32
        %dma_start3A_199 = arith.constant 0 : i32
        %dma_start3A_200 = tpu.memref_slice %arg5[%dma_start3A_189, %dma_start3A_198, %dma_start3A_199] : memref<2x32x128xf32, #tpu.memory_space<vmem>> -> memref<1x32x128xf32, #tpu.memory_space<vmem>>
        %dma_start3A_201 = tpu.memref_squeeze %dma_start3A_200 : memref<1x32x128xf32, #tpu.memory_space<vmem>> -> memref<32x128xf32, #tpu.memory_space<vmem>>
        tpu.enqueue_dma source(%dma_start3A_201 : memref<32x128xf32, #tpu.memory_space<vmem>>) target(%dma_start3A_197 : memref<32x128xf32, #tpu.memory_space<hbm>>) target_semaphore(%arg8 : memref<!tpu.dma_semaphore, #tpu.memory_space<semaphore_mem>>)
      } else {
      }
      %add3A_133 = arith.constant 1 : i32
      %add3A_134 = arith.addi %add3A_125, %add3A_133 : i32
      %mul3A_135 = arith.constant 2 : i32
      %mul3A_136 = arith.muli %mul3A_135, %scan3A_121 : i32
      %add3A_137 = arith.constant 1 : i32
      %add3A_138 = arith.addi %mul3A_136, %add3A_137 : i32
      %lt3A_139 = arith.cmpi slt, %add3A_138, %select_n3A : i32
      %gt3A_140 = arith.constant 0 : i32
      %gt3A_141 = arith.cmpi sgt, %scan3A_121, %gt3A_140 : i32
      %convert_element_type3A_142 = arith.extui %lt3A_139 : i1 to i32
      %cond3A_143 = arith.constant 0 : i32
      %cond3A_144 = arith.cmpi ne, %convert_element_type3A_142, %cond3A_143 : i32
      scf.if %cond3A_144 {
        %mul3A_146 = arith.constant 128 : i32
        %mul3A_147 = arith.muli %add3A_134, %mul3A_146 : i32
        %dma_wait3A_148 = arith.constant 1 : i32
        %dma_wait3A_149 = arith.constant 0 : i32
        %dma_wait3A_150 = arith.constant 0 : i32
        %dma_wait3A_151 = tpu.memref_slice %arg4[%dma_wait3A_148, %dma_wait3A_149, %dma_wait3A_150] : memref<2x32x129xf32, #tpu.memory_space<vmem>> -> memref<1x32x128xf32, #tpu.memory_space<vmem>>
        %dma_wait3A_152 = tpu.memref_squeeze %dma_wait3A_151 : memref<1x32x128xf32, #tpu.memory_space<vmem>> -> memref<32x128xf32, #tpu.memory_space<vmem>>
        %dma_wait3A_153 = arith.constant 0 : i32
        %dma_wait3A_154 = tpu.memref_slice %arg2[%dma_wait3A_153, %mul3A_147] : memref<32x1000000xf32, #tpu.memory_space<hbm>> -> memref<32x128xf32, #tpu.memory_space<hbm>>
        %dma_wait3A_155 = arith.constant 0 : i32
        %dma_wait3A_156 = arith.constant 0 : i32
        %dma_wait3A_157 = tpu.memref_slice %arg4[%dma_wait3A_148, %dma_wait3A_155, %dma_wait3A_156] : memref<2x32x129xf32, #tpu.memory_space<vmem>> -> memref<1x32x128xf32, #tpu.memory_space<vmem>>
        %dma_wait3A_158 = tpu.memref_squeeze %dma_wait3A_157 : memref<1x32x128xf32, #tpu.memory_space<vmem>> -> memref<32x128xf32, #tpu.memory_space<vmem>>
        %dma_wait3A_159 = arith.constant 0 : i32
        %dma_wait3A_160 = tpu.memref_slice %arg2[%dma_wait3A_159, %mul3A_147] : memref<32x1000000xf32, #tpu.memory_space<hbm>> -> memref<32x128xf32, #tpu.memory_space<hbm>>
        tpu.wait_dma2 semaphore(%arg7 : memref<!tpu.dma_semaphore, #tpu.memory_space<semaphore_mem>>) src(%dma_wait3A_160 : memref<32x128xf32, #tpu.memory_space<hbm>>) dst(%dma_wait3A_158 : memref<32x128xf32, #tpu.memory_space<vmem>>)
        %convert_element_type3A_161 = arith.extui %gt3A_141 : i1 to i32
        %cond3A_162 = arith.constant 0 : i32
        %cond3A_163 = arith.cmpi ne, %convert_element_type3A_161, %cond3A_162 : i32
        scf.if %cond3A_163 {
          %sub3A_202 = arith.constant 2 : i32
          %sub3A_203 = arith.subi %add3A_134, %sub3A_202 : i32
          %mul3A_204 = arith.constant 32 : i32
          %mul3A_205 = arith.muli %sub3A_203, %mul3A_204 : i32
          %dma_wait3A_206 = arith.constant 1 : i32
          %dma_wait3A_207 = arith.constant 0 : i32
          %dma_wait3A_208 = arith.constant 0 : i32
          %dma_wait3A_209 = tpu.memref_slice %arg5[%dma_wait3A_206, %dma_wait3A_207, %dma_wait3A_208] : memref<2x32x128xf32, #tpu.memory_space<vmem>> -> memref<1x32x128xf32, #tpu.memory_space<vmem>>
          %dma_wait3A_210 = tpu.memref_squeeze %dma_wait3A_209 : memref<1x32x128xf32, #tpu.memory_space<vmem>> -> memref<32x128xf32, #tpu.memory_space<vmem>>
          %dma_wait3A_211 = arith.constant 0 : i32
          %dma_wait3A_212 = tpu.memref_slice %arg3[%mul3A_205, %dma_wait3A_211] : memref<250000x128xf32, #tpu.memory_space<hbm>> -> memref<32x128xf32, #tpu.memory_space<hbm>>
          %dma_wait3A_213 = arith.constant 0 : i32
          %dma_wait3A_214 = tpu.memref_slice %arg3[%mul3A_205, %dma_wait3A_213] : memref<250000x128xf32, #tpu.memory_space<hbm>> -> memref<32x128xf32, #tpu.memory_space<hbm>>
          %dma_wait3A_215 = arith.constant 0 : i32
          %dma_wait3A_216 = arith.constant 0 : i32
          %dma_wait3A_217 = tpu.memref_slice %arg5[%dma_wait3A_206, %dma_wait3A_215, %dma_wait3A_216] : memref<2x32x128xf32, #tpu.memory_space<vmem>> -> memref<1x32x128xf32, #tpu.memory_space<vmem>>
          %dma_wait3A_218 = tpu.memref_squeeze %dma_wait3A_217 : memref<1x32x128xf32, #tpu.memory_space<vmem>> -> memref<32x128xf32, #tpu.memory_space<vmem>>
          tpu.wait_dma2 semaphore(%arg9 : memref<!tpu.dma_semaphore, #tpu.memory_space<semaphore_mem>>) src(%dma_wait3A_218 : memref<32x128xf32, #tpu.memory_space<vmem>>) dst(%dma_wait3A_214 : memref<32x128xf32, #tpu.memory_space<hbm>>)
        } else {
        }
        %parallel_loop3A = arith.constant 0 : i32
        %parallel_loop3A_164 = arith.constant 128 : i32
        %parallel_loop3A_165 = arith.constant 1 : i32
        scf.for %parallel_loop3A_202 = %parallel_loop3A to %parallel_loop3A_164 step %parallel_loop3A_165  : i32 {
          %parallel_loop3A_203 = arith.constant 0 : i32
          %parallel_loop3A_204 = vector.broadcast %parallel_loop3A_203 : i32 to vector<16xi32>
          %parallel_loop3A_205 = arith.muli %iota3A, %parallel_loop3A_204 : vector<16xi32>
          %parallel_loop3A_206 = vector.broadcast %parallel_loop3A_202 : i32 to vector<16xi32>
          %parallel_loop3A_207 = arith.addi %parallel_loop3A_205, %parallel_loop3A_206 : vector<16xi32>
          %parallel_loop3A_208 = arith.constant 2 : i32
          %parallel_loop3A_209 = arith.shrui %parallel_loop3A_202, %parallel_loop3A_208 : i32
          %parallel_loop3A_210 = arith.constant 3 : i32
          %parallel_loop3A_211 = arith.andi %parallel_loop3A_202, %parallel_loop3A_210 : i32
          %parallel_loop3A_212 = arith.constant 5 : i32
          %parallel_loop3A_213 = arith.shli %parallel_loop3A_211, %parallel_loop3A_212 : i32
          %parallel_loop3A_214 = arith.constant 1 : i32
          %parallel_loop3A_215 = arith.constant 0 : i32
          %parallel_loop3A_216 = arith.constant 0 : i32
          %parallel_loop3A_217 = tpu.memref_slice %arg4[%parallel_loop3A_214, %parallel_loop3A_215, %parallel_loop3A_216] : memref<2x32x129xf32, #tpu.memory_space<vmem>> -> memref<1x32x129xf32, #tpu.memory_space<vmem>>
          %parallel_loop3A_218 = tpu.memref_squeeze %parallel_loop3A_217 : memref<1x32x129xf32, #tpu.memory_space<vmem>> -> memref<32x129xf32, #tpu.memory_space<vmem>>
          %parallel_loop3A_219 = tpu.vector_load_idx %parallel_loop3A_218[%iota3A, %parallel_loop3A_207] : memref<32x129xf32, #tpu.memory_space<vmem>>[vector<16xi32>, vector<16xi32>], vector<16xf32>,
          %parallel_loop3A_220 = arith.constant 0 : i32
          %parallel_loop3A_221 = arith.addi %parallel_loop3A_213, %parallel_loop3A_220 : i32
          %parallel_loop3A_222 = arith.constant 1 : i32
          %parallel_loop3A_223 = arith.index_cast %parallel_loop3A_222 : i32 to index
          %parallel_loop3A_224 = arith.index_cast %parallel_loop3A_209 : i32 to index
          %parallel_loop3A_225 = arith.index_cast %parallel_loop3A_221 : i32 to index
          %parallel_loop3A_226 = tpu.vector_load %arg5[%parallel_loop3A_223, %parallel_loop3A_224, %parallel_loop3A_225] {strides = array<i32>} : memref<2x32x128xf32, #tpu.memory_space<vmem>>, vector<16xf32>,
          tpu.vector_store %arg5[%parallel_loop3A_223, %parallel_loop3A_224, %parallel_loop3A_225], %parallel_loop3A_219 {strides = array<i32>} : memref<2x32x128xf32, #tpu.memory_space<vmem>>, vector<16xf32>,
          %parallel_loop3A_227 = arith.constant 1 : i32
          %parallel_loop3A_228 = arith.constant 0 : i32
          %parallel_loop3A_229 = arith.constant 0 : i32
          %parallel_loop3A_230 = tpu.memref_slice %arg4[%parallel_loop3A_227, %parallel_loop3A_228, %parallel_loop3A_229] : memref<2x32x129xf32, #tpu.memory_space<vmem>> -> memref<1x32x129xf32, #tpu.memory_space<vmem>>
          %parallel_loop3A_231 = tpu.memref_squeeze %parallel_loop3A_230 : memref<1x32x129xf32, #tpu.memory_space<vmem>> -> memref<32x129xf32, #tpu.memory_space<vmem>>
          %parallel_loop3A_232 = tpu.vector_load_idx %parallel_loop3A_231[%add3A_9, %parallel_loop3A_207] : memref<32x129xf32, #tpu.memory_space<vmem>>[vector<16xi32>, vector<16xi32>], vector<16xf32>,
          %parallel_loop3A_233 = arith.constant 16 : i32
          %parallel_loop3A_234 = arith.addi %parallel_loop3A_213, %parallel_loop3A_233 : i32
          %parallel_loop3A_235 = arith.constant 1 : i32
          %parallel_loop3A_236 = arith.index_cast %parallel_loop3A_235 : i32 to index
          %parallel_loop3A_237 = arith.index_cast %parallel_loop3A_209 : i32 to index
          %parallel_loop3A_238 = arith.index_cast %parallel_loop3A_234 : i32 to index
          %parallel_loop3A_239 = tpu.vector_load %arg5[%parallel_loop3A_236, %parallel_loop3A_237, %parallel_loop3A_238] {strides = array<i32>} : memref<2x32x128xf32, #tpu.memory_space<vmem>>, vector<16xf32>,
          tpu.vector_store %arg5[%parallel_loop3A_236, %parallel_loop3A_237, %parallel_loop3A_238], %parallel_loop3A_232 {strides = array<i32>} : memref<2x32x128xf32, #tpu.memory_space<vmem>>, vector<16xf32>,
        } {sc.loop_unroll_factor = 8 : i64, sc.parallel_access}
        %add3A_166 = arith.constant 2 : i32
        %add3A_167 = arith.addi %add3A_134, %add3A_166 : i32
        %add3A_168 = arith.addi %add3A_4, %select_n3A : i32
        %sub3A_169 = arith.constant 1 : i32
        %sub3A_170 = arith.subi %add3A_168, %sub3A_169 : i32
        %min3A_171 = arith.minsi %add3A_167, %sub3A_170 : i32
        %mul3A_172 = arith.constant 128 : i32
        %mul3A_173 = arith.muli %min3A_171, %mul3A_172 : i32
        %dma_start3A_174 = arith.constant 1 : i32
        %dma_start3A_175 = arith.constant 0 : i32
        %dma_start3A_176 = arith.constant 0 : i32
        %dma_start3A_177 = tpu.memref_slice %arg4[%dma_start3A_174, %dma_start3A_175, %dma_start3A_176] : memref<2x32x129xf32, #tpu.memory_space<vmem>> -> memref<1x32x128xf32, #tpu.memory_space<vmem>>
        %dma_start3A_178 = tpu.memref_squeeze %dma_start3A_177 : memref<1x32x128xf32, #tpu.memory_space<vmem>> -> memref<32x128xf32, #tpu.memory_space<vmem>>
        %dma_start3A_179 = arith.constant 0 : i32
        %dma_start3A_180 = tpu.memref_slice %arg2[%dma_start3A_179, %mul3A_173] : memref<32x1000000xf32, #tpu.memory_space<hbm>> -> memref<32x128xf32, #tpu.memory_space<hbm>>
        %dma_start3A_181 = arith.constant 0 : i32
        %dma_start3A_182 = arith.constant 0 : i32
        %dma_start3A_183 = tpu.memref_slice %arg4[%dma_start3A_174, %dma_start3A_181, %dma_start3A_182] : memref<2x32x129xf32, #tpu.memory_space<vmem>> -> memref<1x32x128xf32, #tpu.memory_space<vmem>>
        %dma_start3A_184 = tpu.memref_squeeze %dma_start3A_183 : memref<1x32x128xf32, #tpu.memory_space<vmem>> -> memref<32x128xf32, #tpu.memory_space<vmem>>
        %dma_start3A_185 = arith.constant 0 : i32
        %dma_start3A_186 = tpu.memref_slice %arg2[%dma_start3A_185, %mul3A_173] : memref<32x1000000xf32, #tpu.memory_space<hbm>> -> memref<32x128xf32, #tpu.memory_space<hbm>>
        tpu.enqueue_dma source(%dma_start3A_186 : memref<32x128xf32, #tpu.memory_space<hbm>>) target(%dma_start3A_184 : memref<32x128xf32, #tpu.memory_space<vmem>>) target_semaphore(%arg7 : memref<!tpu.dma_semaphore, #tpu.memory_space<semaphore_mem>>)
        %mul3A_187 = arith.constant 32 : i32
        %mul3A_188 = arith.muli %add3A_134, %mul3A_187 : i32
        %dma_start3A_189 = arith.constant 1 : i32
        %dma_start3A_190 = arith.constant 0 : i32
        %dma_start3A_191 = arith.constant 0 : i32
        %dma_start3A_192 = tpu.memref_slice %arg5[%dma_start3A_189, %dma_start3A_190, %dma_start3A_191] : memref<2x32x128xf32, #tpu.memory_space<vmem>> -> memref<1x32x128xf32, #tpu.memory_space<vmem>>
        %dma_start3A_193 = tpu.memref_squeeze %dma_start3A_192 : memref<1x32x128xf32, #tpu.memory_space<vmem>> -> memref<32x128xf32, #tpu.memory_space<vmem>>
        %dma_start3A_194 = arith.constant 0 : i32
        %dma_start3A_195 = tpu.memref_slice %arg3[%mul3A_188, %dma_start3A_194] : memref<250000x128xf32, #tpu.memory_space<hbm>> -> memref<32x128xf32, #tpu.memory_space<hbm>>
        %dma_start3A_196 = arith.constant 0 : i32
        %dma_start3A_197 = tpu.memref_slice %arg3[%mul3A_188, %dma_start3A_196] : memref<250000x128xf32, #tpu.memory_space<hbm>> -> memref<32x128xf32, #tpu.memory_space<hbm>>
        %dma_start3A_198 = arith.constant 0 : i32
        %dma_start3A_199 = arith.constant 0 : i32
        %dma_start3A_200 = tpu.memref_slice %arg5[%dma_start3A_189, %dma_start3A_198, %dma_start3A_199] : memref<2x32x128xf32, #tpu.memory_space<vmem>> -> memref<1x32x128xf32, #tpu.memory_space<vmem>>
        %dma_start3A_201 = tpu.memref_squeeze %dma_start3A_200 : memref<1x32x128xf32, #tpu.memory_space<vmem>> -> memref<32x128xf32, #tpu.memory_space<vmem>>
        tpu.enqueue_dma source(%dma_start3A_201 : memref<32x128xf32, #tpu.memory_space<vmem>>) target(%dma_start3A_197 : memref<32x128xf32, #tpu.memory_space<hbm>>) target_semaphore(%arg9 : memref<!tpu.dma_semaphore, #tpu.memory_space<semaphore_mem>>)
      } else {
      }
      %scan3A_145 = arith.constant 0 : i32
      scf.yield %scan3A_145 : i32
    }
    %scan3A_46 = arith.constant 123 : i32
    %eq3A = arith.constant 245 : i32
    %eq3A_47 = arith.cmpi eq, %select_n3A, %eq3A : i32
    %jit3A_48 = arith.constant 244 : i32
    %jit3A_49 = arith.constant 242 : i32
    %select_n3A_50 = arith.select %eq3A_47, %jit3A_48, %jit3A_49 : i32
    %add3A_51 = arith.addi %add3A_4, %select_n3A_50 : i32
    %add3A_52 = arith.constant 243 : i32
    %add3A_53 = arith.addi %add3A_4, %add3A_52 : i32
    %mul3A_54 = arith.constant 32 : i32
    %mul3A_55 = arith.muli %add3A_51, %mul3A_54 : i32
    %dma_wait3A = arith.constant 0 : i32
    %dma_wait3A_56 = arith.constant 0 : i32
    %dma_wait3A_57 = arith.constant 0 : i32
    %dma_wait3A_58 = tpu.memref_slice %arg5[%dma_wait3A, %dma_wait3A_56, %dma_wait3A_57] : memref<2x32x128xf32, #tpu.memory_space<vmem>> -> memref<1x32x128xf32, #tpu.memory_space<vmem>>
    %dma_wait3A_59 = tpu.memref_squeeze %dma_wait3A_58 : memref<1x32x128xf32, #tpu.memory_space<vmem>> -> memref<32x128xf32, #tpu.memory_space<vmem>>
    %dma_wait3A_60 = arith.constant 0 : i32
    %dma_wait3A_61 = tpu.memref_slice %arg3[%mul3A_55, %dma_wait3A_60] : memref<250000x128xf32, #tpu.memory_space<hbm>> -> memref<32x128xf32, #tpu.memory_space<hbm>>
    %dma_wait3A_62 = arith.constant 0 : i32
    %dma_wait3A_63 = tpu.memref_slice %arg3[%mul3A_55, %dma_wait3A_62] : memref<250000x128xf32, #tpu.memory_space<hbm>> -> memref<32x128xf32, #tpu.memory_space<hbm>>
    %dma_wait3A_64 = arith.constant 0 : i32
    %dma_wait3A_65 = arith.constant 0 : i32
    %dma_wait3A_66 = tpu.memref_slice %arg5[%dma_wait3A, %dma_wait3A_64, %dma_wait3A_65] : memref<2x32x128xf32, #tpu.memory_space<vmem>> -> memref<1x32x128xf32, #tpu.memory_space<vmem>>
    %dma_wait3A_67 = tpu.memref_squeeze %dma_wait3A_66 : memref<1x32x128xf32, #tpu.memory_space<vmem>> -> memref<32x128xf32, #tpu.memory_space<vmem>>
    tpu.wait_dma2 semaphore(%arg8 : memref<!tpu.dma_semaphore, #tpu.memory_space<semaphore_mem>>) src(%dma_wait3A_67 : memref<32x128xf32, #tpu.memory_space<vmem>>) dst(%dma_wait3A_63 : memref<32x128xf32, #tpu.memory_space<hbm>>)
    %mul3A_68 = arith.constant 32 : i32
    %mul3A_69 = arith.muli %add3A_53, %mul3A_68 : i32
    %dma_wait3A_70 = arith.constant 1 : i32
    %dma_wait3A_71 = arith.constant 0 : i32
    %dma_wait3A_72 = arith.constant 0 : i32
    %dma_wait3A_73 = tpu.memref_slice %arg5[%dma_wait3A_70, %dma_wait3A_71, %dma_wait3A_72] : memref<2x32x128xf32, #tpu.memory_space<vmem>> -> memref<1x32x128xf32, #tpu.memory_space<vmem>>
    %dma_wait3A_74 = tpu.memref_squeeze %dma_wait3A_73 : memref<1x32x128xf32, #tpu.memory_space<vmem>> -> memref<32x128xf32, #tpu.memory_space<vmem>>
    %dma_wait3A_75 = arith.constant 0 : i32
    %dma_wait3A_76 = tpu.memref_slice %arg3[%mul3A_69, %dma_wait3A_75] : memref<250000x128xf32, #tpu.memory_space<hbm>> -> memref<32x128xf32, #tpu.memory_space<hbm>>
    %dma_wait3A_77 = arith.constant 0 : i32
    %dma_wait3A_78 = tpu.memref_slice %arg3[%mul3A_69, %dma_wait3A_77] : memref<250000x128xf32, #tpu.memory_space<hbm>> -> memref<32x128xf32, #tpu.memory_space<hbm>>
    %dma_wait3A_79 = arith.constant 0 : i32
    %dma_wait3A_80 = arith.constant 0 : i32
    %dma_wait3A_81 = tpu.memref_slice %arg5[%dma_wait3A_70, %dma_wait3A_79, %dma_wait3A_80] : memref<2x32x128xf32, #tpu.memory_space<vmem>> -> memref<1x32x128xf32, #tpu.memory_space<vmem>>
    %dma_wait3A_82 = tpu.memref_squeeze %dma_wait3A_81 : memref<1x32x128xf32, #tpu.memory_space<vmem>> -> memref<32x128xf32, #tpu.memory_space<vmem>>
    tpu.wait_dma2 semaphore(%arg9 : memref<!tpu.dma_semaphore, #tpu.memory_space<semaphore_mem>>) src(%dma_wait3A_82 : memref<32x128xf32, #tpu.memory_space<vmem>>) dst(%dma_wait3A_78 : memref<32x128xf32, #tpu.memory_space<hbm>>)
    %add3A_83 = arith.addi %add3A_4, %select_n3A : i32
    %sub3A = arith.constant 1 : i32
    %sub3A_84 = arith.subi %add3A_83, %sub3A : i32
    %mul3A_85 = arith.constant 128 : i32
    %mul3A_86 = arith.muli %sub3A_84, %mul3A_85 : i32
    %dma_wait3A_87 = arith.constant 0 : i32
    %dma_wait3A_88 = arith.constant 0 : i32
    %dma_wait3A_89 = arith.constant 0 : i32
    %dma_wait3A_90 = tpu.memref_slice %arg4[%dma_wait3A_87, %dma_wait3A_88, %dma_wait3A_89] : memref<2x32x129xf32, #tpu.memory_space<vmem>> -> memref<1x32x128xf32, #tpu.memory_space<vmem>>
    %dma_wait3A_91 = tpu.memref_squeeze %dma_wait3A_90 : memref<1x32x128xf32, #tpu.memory_space<vmem>> -> memref<32x128xf32, #tpu.memory_space<vmem>>
    %dma_wait3A_92 = arith.constant 0 : i32
    %dma_wait3A_93 = tpu.memref_slice %arg2[%dma_wait3A_92, %mul3A_86] : memref<32x1000000xf32, #tpu.memory_space<hbm>> -> memref<32x128xf32, #tpu.memory_space<hbm>>
    %dma_wait3A_94 = arith.constant 0 : i32
    %dma_wait3A_95 = arith.constant 0 : i32
    %dma_wait3A_96 = tpu.memref_slice %arg4[%dma_wait3A_87, %dma_wait3A_94, %dma_wait3A_95] : memref<2x32x129xf32, #tpu.memory_space<vmem>> -> memref<1x32x128xf32, #tpu.memory_space<vmem>>
    %dma_wait3A_97 = tpu.memref_squeeze %dma_wait3A_96 : memref<1x32x128xf32, #tpu.memory_space<vmem>> -> memref<32x128xf32, #tpu.memory_space<vmem>>
    %dma_wait3A_98 = arith.constant 0 : i32
    %dma_wait3A_99 = tpu.memref_slice %arg2[%dma_wait3A_98, %mul3A_86] : memref<32x1000000xf32, #tpu.memory_space<hbm>> -> memref<32x128xf32, #tpu.memory_space<hbm>>
    tpu.wait_dma2 semaphore(%arg6 : memref<!tpu.dma_semaphore, #tpu.memory_space<semaphore_mem>>) src(%dma_wait3A_99 : memref<32x128xf32, #tpu.memory_space<hbm>>) dst(%dma_wait3A_97 : memref<32x128xf32, #tpu.memory_space<vmem>>)
    %add3A_100 = arith.addi %add3A_4, %select_n3A : i32
    %sub3A_101 = arith.constant 1 : i32
    %sub3A_102 = arith.subi %add3A_100, %sub3A_101 : i32
    %mul3A_103 = arith.constant 128 : i32
    %mul3A_104 = arith.muli %sub3A_102, %mul3A_103 : i32
    %dma_wait3A_105 = arith.constant 1 : i32
    %dma_wait3A_106 = arith.constant 0 : i32
    %dma_wait3A_107 = arith.constant 0 : i32
    %dma_wait3A_108 = tpu.memref_slice %arg4[%dma_wait3A_105, %dma_wait3A_106, %dma_wait3A_107] : memref<2x32x129xf32, #tpu.memory_space<vmem>> -> memref<1x32x128xf32, #tpu.memory_space<vmem>>
    %dma_wait3A_109 = tpu.memref_squeeze %dma_wait3A_108 : memref<1x32x128xf32, #tpu.memory_space<vmem>> -> memref<32x128xf32, #tpu.memory_space<vmem>>
    %dma_wait3A_110 = arith.constant 0 : i32
    %dma_wait3A_111 = tpu.memref_slice %arg2[%dma_wait3A_110, %mul3A_104] : memref<32x1000000xf32, #tpu.memory_space<hbm>> -> memref<32x128xf32, #tpu.memory_space<hbm>>
    %dma_wait3A_112 = arith.constant 0 : i32
    %dma_wait3A_113 = arith.constant 0 : i32
    %dma_wait3A_114 = tpu.memref_slice %arg4[%dma_wait3A_105, %dma_wait3A_112, %dma_wait3A_113] : memref<2x32x129xf32, #tpu.memory_space<vmem>> -> memref<1x32x128xf32, #tpu.memory_space<vmem>>
    %dma_wait3A_115 = tpu.memref_squeeze %dma_wait3A_114 : memref<1x32x128xf32, #tpu.memory_space<vmem>> -> memref<32x128xf32, #tpu.memory_space<vmem>>
    %dma_wait3A_116 = arith.constant 0 : i32
    %dma_wait3A_117 = tpu.memref_slice %arg2[%dma_wait3A_116, %mul3A_104] : memref<32x1000000xf32, #tpu.memory_space<hbm>> -> memref<32x128xf32, #tpu.memory_space<hbm>>
    tpu.wait_dma2 semaphore(%arg7 : memref<!tpu.dma_semaphore, #tpu.memory_space<semaphore_mem>>) src(%dma_wait3A_117 : memref<32x128xf32, #tpu.memory_space<hbm>>) dst(%dma_wait3A_115 : memref<32x128xf32, #tpu.memory_space<vmem>>)
    %eq3A_118 = arith.constant 31 : i32
    %eq3A_119 = arith.cmpi eq, %add3A, %eq3A_118 : i32
    %convert_element_type3A = arith.extui %eq3A_119 : i1 to i32
    %cond3A = arith.constant 0 : i32
    %cond3A_120 = arith.cmpi ne, %convert_element_type3A, %cond3A : i32
    scf.if %cond3A_120 {
      %max3A = arith.constant 999936 : i32
      %max3A_121 = arith.maxsi %max3A, %add3A : i32
      %multiple_of3A = tpu.assume_multiple %max3A_121, 128 : i32
      %run_scoped3A = arith.constant 0 : i32
      "tpu.region"() ({
        %run_scoped3A_125 = tpu.sem_alloc : memref<!tpu.dma_semaphore, #tpu.memory_space<semaphore_mem>>
        %dma_start3A_126 = arith.constant 0 : i32
        %dma_start3A_127 = arith.constant 0 : i32
        %dma_start3A_128 = tpu.memref_slice %arg4[%run_scoped3A, %dma_start3A_126, %dma_start3A_127] : memref<2x32x129xf32, #tpu.memory_space<vmem>> -> memref<1x32x128xf32, #tpu.memory_space<vmem>>
        %dma_start3A_129 = tpu.memref_squeeze %dma_start3A_128 : memref<1x32x128xf32, #tpu.memory_space<vmem>> -> memref<32x128xf32, #tpu.memory_space<vmem>>
        %dma_start3A_130 = arith.constant 0 : i32
        %dma_start3A_131 = tpu.memref_slice %arg2[%dma_start3A_130, %multiple_of3A] : memref<32x1000000xf32, #tpu.memory_space<hbm>> -> memref<32x128xf32, #tpu.memory_space<hbm>>
        %dma_start3A_132 = arith.constant 0 : i32
        %dma_start3A_133 = arith.constant 0 : i32
        %dma_start3A_134 = tpu.memref_slice %arg4[%run_scoped3A, %dma_start3A_132, %dma_start3A_133] : memref<2x32x129xf32, #tpu.memory_space<vmem>> -> memref<1x32x128xf32, #tpu.memory_space<vmem>>
        %dma_start3A_135 = tpu.memref_squeeze %dma_start3A_134 : memref<1x32x128xf32, #tpu.memory_space<vmem>> -> memref<32x128xf32, #tpu.memory_space<vmem>>
        %dma_start3A_136 = arith.constant 0 : i32
        %dma_start3A_137 = tpu.memref_slice %arg2[%dma_start3A_136, %multiple_of3A] : memref<32x1000000xf32, #tpu.memory_space<hbm>> -> memref<32x128xf32, #tpu.memory_space<hbm>>
        tpu.enqueue_dma source(%dma_start3A_137 : memref<32x128xf32, #tpu.memory_space<hbm>>) target(%dma_start3A_135 : memref<32x128xf32, #tpu.memory_space<vmem>>) target_semaphore(%run_scoped3A_125 : memref<!tpu.dma_semaphore, #tpu.memory_space<semaphore_mem>>)
        %dma_wait3A_138 = arith.constant 0 : i32
        %dma_wait3A_139 = arith.constant 0 : i32
        %dma_wait3A_140 = tpu.memref_slice %arg4[%run_scoped3A, %dma_wait3A_138, %dma_wait3A_139] : memref<2x32x129xf32, #tpu.memory_space<vmem>> -> memref<1x32x128xf32, #tpu.memory_space<vmem>>
        %dma_wait3A_141 = tpu.memref_squeeze %dma_wait3A_140 : memref<1x32x128xf32, #tpu.memory_space<vmem>> -> memref<32x128xf32, #tpu.memory_space<vmem>>
        %dma_wait3A_142 = arith.constant 0 : i32
        %dma_wait3A_143 = tpu.memref_slice %arg2[%dma_wait3A_142, %multiple_of3A] : memref<32x1000000xf32, #tpu.memory_space<hbm>> -> memref<32x128xf32, #tpu.memory_space<hbm>>
        %dma_wait3A_144 = arith.constant 0 : i32
        %dma_wait3A_145 = arith.constant 0 : i32
        %dma_wait3A_146 = tpu.memref_slice %arg4[%run_scoped3A, %dma_wait3A_144, %dma_wait3A_145] : memref<2x32x129xf32, #tpu.memory_space<vmem>> -> memref<1x32x128xf32, #tpu.memory_space<vmem>>
        %dma_wait3A_147 = tpu.memref_squeeze %dma_wait3A_146 : memref<1x32x128xf32, #tpu.memory_space<vmem>> -> memref<32x128xf32, #tpu.memory_space<vmem>>
        %dma_wait3A_148 = arith.constant 0 : i32
        %dma_wait3A_149 = tpu.memref_slice %arg2[%dma_wait3A_148, %multiple_of3A] : memref<32x1000000xf32, #tpu.memory_space<hbm>> -> memref<32x128xf32, #tpu.memory_space<hbm>>
        tpu.wait_dma2 semaphore(%run_scoped3A_125 : memref<!tpu.dma_semaphore, #tpu.memory_space<semaphore_mem>>) src(%dma_wait3A_149 : memref<32x128xf32, #tpu.memory_space<hbm>>) dst(%dma_wait3A_147 : memref<32x128xf32, #tpu.memory_space<vmem>>)
        tpu.yield
      }) : () -> ()
      %parallel_loop3A = arith.constant 0 : i32
      %parallel_loop3A_122 = arith.constant 64 : i32
      %parallel_loop3A_123 = arith.constant 1 : i32
      scf.for %parallel_loop3A_125 = %parallel_loop3A to %parallel_loop3A_122 step %parallel_loop3A_123  : i32 {
        %parallel_loop3A_126 = arith.constant 0 : i32
        %parallel_loop3A_127 = vector.broadcast %parallel_loop3A_126 : i32 to vector<16xi32>
        %parallel_loop3A_128 = arith.muli %iota3A, %parallel_loop3A_127 : vector<16xi32>
        %parallel_loop3A_129 = vector.broadcast %parallel_loop3A_125 : i32 to vector<16xi32>
        %parallel_loop3A_130 = arith.addi %parallel_loop3A_128, %parallel_loop3A_129 : vector<16xi32>
        %parallel_loop3A_131 = arith.constant 2 : i32
        %parallel_loop3A_132 = arith.shrui %parallel_loop3A_125, %parallel_loop3A_131 : i32
        %parallel_loop3A_133 = arith.constant 3 : i32
        %parallel_loop3A_134 = arith.andi %parallel_loop3A_125, %parallel_loop3A_133 : i32
        %parallel_loop3A_135 = arith.constant 5 : i32
        %parallel_loop3A_136 = arith.shli %parallel_loop3A_134, %parallel_loop3A_135 : i32
        %parallel_loop3A_137 = arith.constant 0 : i32
        %parallel_loop3A_138 = arith.constant 0 : i32
        %parallel_loop3A_139 = arith.constant 0 : i32
        %parallel_loop3A_140 = tpu.memref_slice %arg4[%parallel_loop3A_137, %parallel_loop3A_138, %parallel_loop3A_139] : memref<2x32x129xf32, #tpu.memory_space<vmem>> -> memref<1x32x129xf32, #tpu.memory_space<vmem>>
        %parallel_loop3A_141 = tpu.memref_squeeze %parallel_loop3A_140 : memref<1x32x129xf32, #tpu.memory_space<vmem>> -> memref<32x129xf32, #tpu.memory_space<vmem>>
        %parallel_loop3A_142 = tpu.vector_load_idx %parallel_loop3A_141[%iota3A, %parallel_loop3A_130] : memref<32x129xf32, #tpu.memory_space<vmem>>[vector<16xi32>, vector<16xi32>], vector<16xf32>,
        %parallel_loop3A_143 = arith.constant 0 : i32
        %parallel_loop3A_144 = arith.addi %parallel_loop3A_136, %parallel_loop3A_143 : i32
        %parallel_loop3A_145 = arith.constant 0 : i32
        %parallel_loop3A_146 = arith.index_cast %parallel_loop3A_145 : i32 to index
        %parallel_loop3A_147 = arith.index_cast %parallel_loop3A_132 : i32 to index
        %parallel_loop3A_148 = arith.index_cast %parallel_loop3A_144 : i32 to index
        %parallel_loop3A_149 = tpu.vector_load %arg5[%parallel_loop3A_146, %parallel_loop3A_147, %parallel_loop3A_148] {strides = array<i32>} : memref<2x32x128xf32, #tpu.memory_space<vmem>>, vector<16xf32>,
        tpu.vector_store %arg5[%parallel_loop3A_146, %parallel_loop3A_147, %parallel_loop3A_148], %parallel_loop3A_142 {strides = array<i32>} : memref<2x32x128xf32, #tpu.memory_space<vmem>>, vector<16xf32>,
        %parallel_loop3A_150 = arith.constant 0 : i32
        %parallel_loop3A_151 = arith.constant 0 : i32
        %parallel_loop3A_152 = arith.constant 0 : i32
        %parallel_loop3A_153 = tpu.memref_slice %arg4[%parallel_loop3A_150, %parallel_loop3A_151, %parallel_loop3A_152] : memref<2x32x129xf32, #tpu.memory_space<vmem>> -> memref<1x32x129xf32, #tpu.memory_space<vmem>>
        %parallel_loop3A_154 = tpu.memref_squeeze %parallel_loop3A_153 : memref<1x32x129xf32, #tpu.memory_space<vmem>> -> memref<32x129xf32, #tpu.memory_space<vmem>>
        %parallel_loop3A_155 = tpu.vector_load_idx %parallel_loop3A_154[%add3A_9, %parallel_loop3A_130] : memref<32x129xf32, #tpu.memory_space<vmem>>[vector<16xi32>, vector<16xi32>], vector<16xf32>,
        %parallel_loop3A_156 = arith.constant 16 : i32
        %parallel_loop3A_157 = arith.addi %parallel_loop3A_136, %parallel_loop3A_156 : i32
        %parallel_loop3A_158 = arith.constant 0 : i32
        %parallel_loop3A_159 = arith.index_cast %parallel_loop3A_158 : i32 to index
        %parallel_loop3A_160 = arith.index_cast %parallel_loop3A_132 : i32 to index
        %parallel_loop3A_161 = arith.index_cast %parallel_loop3A_157 : i32 to index
        %parallel_loop3A_162 = tpu.vector_load %arg5[%parallel_loop3A_159, %parallel_loop3A_160, %parallel_loop3A_161] {strides = array<i32>} : memref<2x32x128xf32, #tpu.memory_space<vmem>>, vector<16xf32>,
        tpu.vector_store %arg5[%parallel_loop3A_159, %parallel_loop3A_160, %parallel_loop3A_161], %parallel_loop3A_155 {strides = array<i32>} : memref<2x32x128xf32, #tpu.memory_space<vmem>>, vector<16xf32>,
      } {sc.loop_unroll_factor = 8 : i64, sc.parallel_access}
      %run_scoped3A_124 = arith.constant 0 : i32
      "tpu.region"() ({
        %run_scoped3A_125 = tpu.sem_alloc : memref<!tpu.dma_semaphore, #tpu.memory_space<semaphore_mem>>
        %dma_start3A_126 = arith.constant 0 : i32
        %dma_start3A_127 = arith.constant 0 : i32
        %dma_start3A_128 = tpu.memref_slice %arg5[%run_scoped3A_124, %dma_start3A_126, %dma_start3A_127] : memref<2x32x128xf32, #tpu.memory_space<vmem>> -> memref<1x16x128xf32, #tpu.memory_space<vmem>>
        %dma_start3A_129 = tpu.memref_squeeze %dma_start3A_128 : memref<1x16x128xf32, #tpu.memory_space<vmem>> -> memref<16x128xf32, #tpu.memory_space<vmem>>
        %dma_start3A_130 = arith.constant 249984 : i32
        %dma_start3A_131 = arith.constant 0 : i32
        %dma_start3A_132 = tpu.memref_slice %arg3[%dma_start3A_130, %dma_start3A_131] : memref<250000x128xf32, #tpu.memory_space<hbm>> -> memref<16x128xf32, #tpu.memory_space<hbm>>
        %dma_start3A_133 = arith.constant 249984 : i32
        %dma_start3A_134 = arith.constant 0 : i32
        %dma_start3A_135 = tpu.memref_slice %arg3[%dma_start3A_133, %dma_start3A_134] : memref<250000x128xf32, #tpu.memory_space<hbm>> -> memref<16x128xf32, #tpu.memory_space<hbm>>
        %dma_start3A_136 = arith.constant 0 : i32
        %dma_start3A_137 = arith.constant 0 : i32
        %dma_start3A_138 = tpu.memref_slice %arg5[%run_scoped3A_124, %dma_start3A_136, %dma_start3A_137] : memref<2x32x128xf32, #tpu.memory_space<vmem>> -> memref<1x16x128xf32, #tpu.memory_space<vmem>>
        %dma_start3A_139 = tpu.memref_squeeze %dma_start3A_138 : memref<1x16x128xf32, #tpu.memory_space<vmem>> -> memref<16x128xf32, #tpu.memory_space<vmem>>
        tpu.enqueue_dma source(%dma_start3A_139 : memref<16x128xf32, #tpu.memory_space<vmem>>) target(%dma_start3A_135 : memref<16x128xf32, #tpu.memory_space<hbm>>) target_semaphore(%run_scoped3A_125 : memref<!tpu.dma_semaphore, #tpu.memory_space<semaphore_mem>>)
        %dma_wait3A_140 = arith.constant 0 : i32
        %dma_wait3A_141 = arith.constant 0 : i32
        %dma_wait3A_142 = tpu.memref_slice %arg5[%run_scoped3A_124, %dma_wait3A_140, %dma_wait3A_141] : memref<2x32x128xf32, #tpu.memory_space<vmem>> -> memref<1x16x128xf32, #tpu.memory_space<vmem>>
        %dma_wait3A_143 = tpu.memref_squeeze %dma_wait3A_142 : memref<1x16x128xf32, #tpu.memory_space<vmem>> -> memref<16x128xf32, #tpu.memory_space<vmem>>
        %dma_wait3A_144 = arith.constant 249984 : i32
        %dma_wait3A_145 = arith.constant 0 : i32
        %dma_wait3A_146 = tpu.memref_slice %arg3[%dma_wait3A_144, %dma_wait3A_145] : memref<250000x128xf32, #tpu.memory_space<hbm>> -> memref<16x128xf32, #tpu.memory_space<hbm>>
        %dma_wait3A_147 = arith.constant 249984 : i32
        %dma_wait3A_148 = arith.constant 0 : i32
        %dma_wait3A_149 = tpu.memref_slice %arg3[%dma_wait3A_147, %dma_wait3A_148] : memref<250000x128xf32, #tpu.memory_space<hbm>> -> memref<16x128xf32, #tpu.memory_space<hbm>>
        %dma_wait3A_150 = arith.constant 0 : i32
        %dma_wait3A_151 = arith.constant 0 : i32
        %dma_wait3A_152 = tpu.memref_slice %arg5[%run_scoped3A_124, %dma_wait3A_150, %dma_wait3A_151] : memref<2x32x128xf32, #tpu.memory_space<vmem>> -> memref<1x16x128xf32, #tpu.memory_space<vmem>>
        %dma_wait3A_153 = tpu.memref_squeeze %dma_wait3A_152 : memref<1x16x128xf32, #tpu.memory_space<vmem>> -> memref<16x128xf32, #tpu.memory_space<vmem>>
        tpu.wait_dma2 semaphore(%run_scoped3A_125 : memref<!tpu.dma_semaphore, #tpu.memory_space<semaphore_mem>>) src(%dma_wait3A_153 : memref<16x128xf32, #tpu.memory_space<vmem>>) dst(%dma_wait3A_149 : memref<16x128xf32, #tpu.memory_space<hbm>>)
        tpu.yield
      }) : () -> ()
    } else {
    }
    return
  }
}

</mosaic_0001>

<sc_bundles>
// kernel: _sc_repack.3.cloned.1.call-start
scs
__scs_entry_jumppad:
0x0: {  	(pc) =	sbr.rel $0x88, $3  }
0x1: {  	(tag) =	ssettag $0x0;
	lr =	simm.s32 $0x1  }
0x2: {  	[smem:$0x3FA0] =	sst lr;
	_ =	strace $0xD0000000  }
0x3: {  	_ = 	snop  }
0x4: {  	_ = 	snop  }
0x5: {  	_ = 	snop  }
0x6: {  	_ = 	snop  }
0x7: {  	_ = 	snop  }
__scs_overlays_trampoline_lowered:
0x8: {  	[smem:$0x3FAF] =	sst s0  }
0x9: {  	[smem:$0x3FB0] =	sst s1  }
0xa: {  	[smem:$0x3FB1] =	sst s2  }
0xb: {  	[smem:$0x3FB2] =	sst s3  }
0xc: {  	[smem:$0x3FB3] =	sst s4  }
0xd: {  	[smem:$0x3FB4] =	sst s5  }
0xe: {  	[smem:$0x3FB5] =	sst s6  }
0xf: {  	[smem:$0x3FB6] =	sst s7  }
0x10: {  	[smem:$0x3FB7] =	sst s8  }
0x11: {  	[smem:$0x3FB8] =	sst s9;
	s0 =	simm.s32 @!p0 $0x0  }
0x12: {  	s1 =	sld [smem:$0x3F9E];
	s0 =	simm.s32 @p0 $0x1  }
0x13: {  	[smem:$0x3FB9] =	sst s0;
	s0 =	simm.s32 @!p1 $0x0  }
0x14: {  	s2 =	sld [smem:$0x3F9D];
	s0 =	simm.s32 @p1 $0x1  }
0x15: {  	[smem:$0x3FBA] =	sst s0;
	s0 =	simm.s32 @!p2 $0x0  }
0x16: {  	s3 =	sld [smem:$0x3FDB];
	s0 =	simm.s32 @p2 $0x1  }
0x17: {  	s4 =	simm.s32 $0x1BF5;
	[smem:$0x3FBC] =	sst s0  }
0x18: {  	s0 =	sld [smem:$0x3F9F];
	_ =	swait.ge [sflag:s4], $0x0  }
0x19: {  	s7 =	sld [smem:$0x3FA0]  }
0x1a: {  	s8 =	sadd.s32 $0xFFFFE003, lr  }
0x1b: {  	s9 =	sadd.s32 $0xFFFFFEF7, lr;
	s5 =	simm.s32 $0xFFFFFFFF;
	p2 =	slt.u32 s8, $0xFFFFF086  }
0x1c: {  	p1 =	slt.u32 s9, $0xF7A;
	s5 =	simm.s32 @!p2 $0x0  }
0x1d: {  	s5 =	simm.s32 @p1 $0x1;
	p0 =	seq.s32 s7, s2  }
0x1e: {  	s7 =	smul.u32 @!p0 $0xF7A, s2;
	p2 =	seq.s32 @!p0 s5, $0x0  }
0x1f: {  	s9 =	smul.u32 $0xF7A, s1;
	s8 =	simm.s32 @!p0 $0x1BF5;
	p2 =	por !p2, p0  }
0x20: {  	[sflag:s8] =	ssyncset.s32 @!p0 $0xFFFFF086;
	s6 =	sadd.s32 @!p0 s3, s7;
	s7 =	simm.s32 @!p0 $0x108  }
0x21: {  	s3 =	sadd.s32 s3, s9;
	s6 =	sadd.s32 @!p0 $0x88, s6;
	s7 =	simm.s32 @p2 $0x1082  }
0x22: {  	[simem:s7], [sflag:s8] =	dma.local @!p0 [hbm:s6], $0xF7A  }
0x23: {  	s9 =	sor.u32 $0xD0000000, s2;
	s6 =	simm.s32 $0x108;
	_ =	swait.ge @!p0 [sflag:s8], $0x0  }
0x24: {  	s3 =	sadd.s32 $0x88, s3;
	s6 =	simm.s32 @!p1 $0x1082;
	[sflag:s4] =	ssyncset.s32 $0xFFFFF086  }
0x25: {  	[simem:s6], [sflag:s4] =	dma.local [hbm:s3], $0xF7A  }
0x26: {  	[smem:$0x3FA0] =	sst s1;
	(tag) =	ssettag s2;
	_ =	strace s9  }
0x27: {  	s1 =	sld [smem:$0x3FB0]  }
0x28: {  	s2 =	sld [smem:$0x3FB1]  }
0x29: {  	s4 =	sld [smem:$0x3FB3]  }
0x2a: {  	p0 =	seq.s32 s5, $0x0;
	s5 =	sld [smem:$0x3FB4]  }
0x2b: {  	s6 =	sld [smem:$0x3FB5]  }
0x2c: {  	s7 =	sld [smem:$0x3FB6]  }
0x2d: {  	s3 =	simm.s32 $0x108;
	s8 =	sld [smem:$0x3FB7]  }
0x2e: {  	s3 =	simm.s32 @!p0 $0x1082;
	s9 =	sld [smem:$0x3FB8]  }
0x2f: {  	lr =	sadd.s32 s0, s3;
	s0 =	sld [smem:$0x3FAF]  }
0x30: {  	s3 =	sld [smem:$0x3FB2]  }
0x31: {  	[smem:$0x3FBB] =	sst s10  }
0x32: {  	s10 =	sld [smem:$0x3FB9];
	_ =	sdelay $0x3  }
0x33: {  	p0 =	seq.s32 s10, $0x1;
	s10 =	sld [smem:$0x3FBB];
	_ =	sdelay $0x3  }
0x34: {  	[smem:$0x3FBB] =	sst s10  }
0x35: {  	s10 =	sld [smem:$0x3FBA];
	_ =	sdelay $0x3  }
0x36: {  	p1 =	seq.s32 s10, $0x1;
	s10 =	sld [smem:$0x3FBB];
	_ =	sdelay $0x3  }
0x37: {  	[smem:$0x3FBB] =	sst s10  }
0x38: {  	s10 =	sld [smem:$0x3FBC]  }
0x39: {  	_ = 	snop;
	(pc) =	sbr.ind lr, $3  }
0x3a: {  	_ = 	snop  }
0x3b: {  	_ = 	snop  }
0x3c: {  	p2 =	seq.s32 s10, $0x1;
	s10 =	sld [smem:$0x3FBB]  }
0x3d: {  	_ =	shalt  }
0x3e: {  	_ =	shalt  }
0x3f: {  	_ =	shalt  }
0x40: {  	_ =	shalt  }
0x41: {  	_ =	shalt  }
0x42: {  	_ =	shalt  }
0x43: {  	_ =	shalt  }
0x44: {  	_ =	shalt  }
0x45: {  	_ =	shalt  }
0x46: {  	_ =	shalt  }
0x47: {  	_ =	shalt  }
0x48: {  	_ =	shalt  }
0x49: {  	_ =	shalt  }
0x4a: {  	_ =	shalt  }
0x4b: {  	_ =	shalt  }
0x4c: {  	_ =	shalt  }
0x4d: {  	_ =	shalt  }
0x4e: {  	_ =	shalt  }
0x4f: {  	_ =	shalt  }
0x50: {  	_ =	shalt  }
0x51: {  	_ =	shalt  }
0x52: {  	_ =	shalt  }
0x53: {  	_ =	shalt  }
0x54: {  	_ =	shalt  }
0x55: {  	_ =	shalt  }
0x56: {  	_ =	shalt  }
0x57: {  	_ =	shalt  }
0x58: {  	_ =	shalt  }
0x59: {  	_ =	shalt  }
0x5a: {  	_ =	shalt  }
0x5b: {  	_ =	shalt  }
0x5c: {  	_ =	shalt  }
0x5d: {  	_ =	shalt  }
0x5e: {  	_ =	shalt  }
0x5f: {  	_ =	shalt  }
0x60: {  	_ =	shalt  }
0x61: {  	_ =	shalt  }
0x62: {  	_ =	shalt  }
0x63: {  	_ =	shalt  }
0x64: {  	_ =	shalt  }
0x65: {  	_ =	shalt  }
0x66: {  	_ =	shalt  }
0x67: {  	_ =	shalt  }
0x68: {  	_ =	shalt  }
0x69: {  	_ =	shalt  }
0x6a: {  	_ =	shalt  }
0x6b: {  	_ =	shalt  }
0x6c: {  	_ =	shalt  }
0x6d: {  	_ =	shalt  }
0x6e: {  	_ =	shalt  }
0x6f: {  	_ =	shalt  }
0x70: {  	_ =	shalt  }
0x71: {  	_ =	shalt  }
0x72: {  	_ =	shalt  }
0x73: {  	_ =	shalt  }
0x74: {  	_ =	shalt  }
0x75: {  	_ =	shalt  }
0x76: {  	_ =	shalt  }
0x77: {  	_ =	shalt  }
0x78: {  	_ =	shalt  }
0x79: {  	_ =	shalt  }
0x7a: {  	_ =	shalt  }
0x7b: {  	_ =	shalt  }
0x7c: {  	_ =	shalt  }
0x7d: {  	_ =	shalt  }
0x7e: {  	_ =	shalt  }
0x7f: {  	_ =	shalt  }
0x80: {  	_ =	shalt  }
0x81: {  	_ =	shalt  }
0x82: {  	_ =	shalt  }
0x83: {  	_ =	shalt  }
0x84: {  	_ =	shalt  }
0x85: {  	_ =	shalt  }
0x86: {  	_ =	shalt  }
0x87: {  	_ =	shalt  }
.Lfunc_end0:
.L_simem_size_0:
called_computation_lowered:
.L_overlay_start_0:
0x88: {  	s2 =	sld [smem:$0x3FD9]  }
0x89: {  	s3 =	sld [smem:$0x3FFE];
	_ =	sdelay $0x1  }
0x8a: {  	s1 =	srdreg.scid  }
0x8b: {  	s0 =	sand.u32 $0x1, s1  }
0x8c: {  	s18 =	sshll.u32 s0, $0xA;
	s2 =	sadd.s32 s3, s2  }
0x8d: {  	s2 =	sadd.s32 s2, s18  }
0x8e: {  	[smem:$0x3FC7] =	sst s2  }
0x8f: {  	_ = 	snop  }
0x90: {  	s2 =	sld [smem:$0x3FC9]  }
0x91: {  	s19 =	sld [smem:$0x3FD0];
	(tm) =	ssettm $0x1  }
0x92: {  	s4 =	sld [smem:$0x3FFB];
	_ =	sdelay $0x3  }
0x93: {  	_ =	strace s4  }
0x94: {  	s4 =	sld [smem:$0x3FFC];
	_ =	sdelay $0x3  }
0x95: {  	_ =	strace s4  }
0x96: {  	s4 =	sld [smem:$0x3FFD];
	_ =	sdelay $0x3  }
0x97: {  	_ =	strace s4  }
0x98: {  	_ =	strace $0x8FFFFFFF  }
0x99: {  	s20 =	sld [smem:$0x3FDB];
	_ =	sdelay $0x1  }
0x9a: {  	s5 =	simm.s32 $_scs_section_size  }
0x9b: {  	s6 =	simm.s32 $_size__tile_overlayer_lowered;
	s7 =	simm.s32 $_tile_overlayer_lowered  }
0x9c: {  	s23 =	simm.s32 $0x1BFF;
	s22 =	sshll.u32 s7, $0x1;
	s4 =	sadd.s32 s5, s20  }
0x9d: {  	s8 =	simm.s32 $0x0;
	s21 =	sshll.u32 s6, $0x1;
	s6 =	sadd.s32 s22, s4  }
0x9e: {  	[timem:s8], [sflag:s23] =	dma.local [hbm:s6], s21  }
0x9f: {  	_ =	swait.ge [sflag:s23], s21  }
0xa0: {  	s5 =	ssub.s32 $0x0, s21;
	[sflag:s23] =	ssyncset.done $0x0  }
0xa1: {  	[sflag:s23] =	ssyncadd.s32 s5;
	_ =	sdelay $0x1  }
0xa2: {  	s24 =	simm.s32 $0x1B8B  }
0xa3: {  	_ =	swait.ge [sflag:s24], $0x1  }
0xa4: {  	[sflag:s24] =	ssyncset.done $0x0  }
0xa5: {  	s25 =	simm.s32 $0x1B8E;
	[sflag:s24] =	ssyncadd.s32 $0xFFFFFFFF  }
0xa6: {  	s26 =	simm.s32 $execute0_lowered;
	[smem:$0x3FD2] =	sst s25  }
0xa7: {  	s5 =	sshll.u32 s26, $0x1;
	_ =	strace $0x80000046;
	[dreg:$0x1] =	wrdreg $0xFFFFFFFF  }
0xa8: {  	s28 =	simm.s32 $_size_execute0_lowered;
	s4 =	sadd.s32 s4, s5;
	[dreg:$0x0] =	wrdreg $0x0  }
0xa9: {  	s5 =	sshll.u32 s28, $0x1;
	[dreg:$0x2] =	wrdreg s4  }
0xaa: {  	[dreg:$0x3] =	wrdreg s5  }
0xab: {  	[dreg:$0x4] =	wrdreg $0xC0  }
0xac: {  	_ =	task [dreg:s8], $0x5FFFF  }
0xad: {  	[dreg:$0x1] =	wrdreg $0xFFFFFFFF  }
0xae: {  	[dreg:$0x0] =	wrdreg $0x60  }
0xaf: {  	[dreg:$0x2] =	wrdreg s2  }
0xb0: {  	[dreg:$0x3] =	wrdreg s19  }
0xb1: {  	[dreg:$0x4] =	wrdreg $0x9  }
0xb2: {  	_ =	task.clear_ibuf [dreg:s8], $0x5FFFF;
	_ =	strace $0x90000046  }
0xb3: {  	s29 =	simm.s32 $0x9;
	_ =	strace $0x80000048  }
0xb4: {  	_ =	swait.ge [sflag:s29], $0x1  }
0xb5: {  	[sflag:s29] =	ssyncadd.s32 $0xFFFFFFFF  }
0xb6: {  	_ =	strace $0x90000048  }
0xb7: {  	_ =	sfence  }
0xb8: {  	s30 =	sld [smem:$0x0];
	_ =	sdelay $0x2  }
0xb9: {  	s31 =	sshll.u32 s1, $0xD;
	s1 =	sshrl.u32 s1, $0x2  }
0xba: {  	s3 =	sand.u32 $0x4000, s31;
	s1 =	sadd.s32 s1, s30  }
0xbb: {  	s0 =	sor.u32 s3, s0;
	s1 =	sshll.u32 s1, $0x11  }
0xbc: {  	s0 =	sor.u32 s1, s0  }
0xbd: {  	s0 =	sadd.s32 $0x8F2B, s0  }
0xbe: {  	[sflag:s0] =	ssyncadd.remote.s32 $0x1  }
0xbf: {  	_ =	sfence.sel $0xFFFF  }
0xc0: {  	[dreg:$0x0] =	wrdreg $0xFFFFFFFF;
	(pc) =	sbr.abs _section_cstart, $3  }
0xc1: {  	[dreg:$0x1] =	wrdreg $0xFFFFFFFF  }
0xc2: {  	_ =	task.clear_ibuf [dreg:s8], $0x2FFFF;
	_ =	strace $0x9FFFFFFF  }
0xc3: {  	(tm) =	ssettm $0x7FFFFFFF  }
tec
execute0_lowered:
.L_overlay_start_1:
0x0: {  	(tag) =	ssettag $0x1  }
0x1: {  	s1 =	rddreg [dreg:$0x0];
	s0 =	srdreg.scid  }
0x2: {  	s3 =	stileid.u32;
	s9 =	rddreg [dreg:$0x1]  }
0x3: {  	s4 =	simm.s32 $0x0;
	s28 =	simm.s32 $0x3800;
	s29 =	simm.s32 $0x1  }
0x4: {  	v0 =	vimm.s32 $0xB80;
	vm0 =	vcmask $0x300;
	v1 =	vimm.s32 $0x1B80;
	s31 =	simm.s32 $0x2;
	s2 =	sand.u32 $0x1, s0;
	s16 =	sshll.u32 s3, $0x1  }
0x5: {  	vm1 =	vcmask $0x704;
	v0 =	vsel vm0, $0x0, v0;
	v1 =	vsel vm0, $0x1000, v1;
	[smem:$0x7FF] =	sst s4;
	s19 =	sadd.s32 $0x3D0800, s9;
	s0 =	sor.u32 s2, s16  }
0x6: {  	vm15 =	vcmask $0xB08;
	s21 =	sadd.s32 $0xF4200, s1;
	s2 =	ssub.s32 $0x2, s2;
	v0 =	vsel vm1, $0x80, v0;
	v1 =	vsel vm1, $0x1080, v1;
	s5 =	smul.u32 $0xF4, s0  }
0x7: {  	vm4 =	vcmask $0xF0C;
	_ =	strace $0x80000047;
	s7 =	sshrl.u32 s2, $0x1;
	s6 =	smin.u32 s0, $0x4;
	v0 =	vsel vm15, $0x100, v0;
	v1 =	vsel vm15, $0x1100, v1  }
0x8: {  	vm5 =	vcmask $0x1310;
	[dreg:$0x4] =	wrdreg s19;
	v0 =	vsel vm4, $0x180, v0;
	v1 =	vsel vm4, $0x1180, v1;
	s2 =	ssub.s32 s2, s7;
	s5 =	sadd.s32 s6, s5  }
0x9: {  	vm6 =	vcmask $0x1714;
	[dreg:$0x6] =	wrdreg s21;
	v0 =	vsel vm5, $0x200, v0;
	v1 =	vsel vm5, $0x1200, v1;
	s2 =	smax.u32 s2, $0x1;
	s17 =	sshll.u32 s5, $0x7  }
0xa: {  	vm7 =	vcmask $0x1B18;
	p0 =	slt.u32 s3, $0x2;
	v0 =	vsel vm6, $0x280, v0;
	v1 =	vsel vm6, $0x1280, v1;
	[dreg:$0xc] =	wrdreg s2;
	s18 =	sadd.s32 s1, s17  }
0xb: {  	vm8 =	vcmask $0x1F1C;
	s8 =	sadd.s32 $0x200, s9;
	v0 =	vsel vm7, $0x300, v0;
	v1 =	vsel vm7, $0x1300, v1;
	s20 =	sadd.s32 $0x80, s18;
	[dreg:$0x3] =	wrdreg s18  }
0xc: {  	vm9 =	vcmask $0x2320;
	s21 =	simm.s32 $0x800;
	s22 =	sadd.s32 $0x1E8500, s18;
	v0 =	vsel vm8, $0x380, v0;
	v1 =	vsel vm8, $0x1380, v1;
	[dreg:$0x5] =	wrdreg s20  }
0xd: {  	vm10 =	vcmask $0x2724;
	s6 =	simm.s32 $0xF5;
	s23 =	sadd.s32 $0xF4280, s18;
	[dreg:$0x7] =	wrdreg s22;
	v0 =	vsel vm9, $0x800, v0;
	v1 =	vsel vm9, $0x1800, v1  }
0xe: {  	vm11 =	vcmask $0x2B28;
	s6 =	simm.s32 @!p0 $0xF4;
	s24 =	sadd.s32 $0x2DC780, s18;
	[dreg:$0x8] =	wrdreg s23;
	v0 =	vsel vm10, $0x880, v0;
	v1 =	vsel vm10, $0x1880, v1  }
.Ltmp0:
0xf: {  	vm12 =	vcmask $0x2F2C;
	s25 =	sadd.s32 $0xF4300, s18;
	[dreg:$0x9] =	wrdreg s24;
	v0 =	vsel vm11, $0x900, v0;
	v1 =	vsel vm11, $0x1900, v1;
	(pc) =	sbr.rel .LBB2_1-.Ltmp0, $4  }
0x10: {  	vm13 =	vcmask $0x3330;
	p0 =	sne.s32 s0, $0x1F;
	s26 =	sadd.s32 $0x1E8580, s18;
	[dreg:$0xa] =	wrdreg s25;
	v0 =	vsel vm12, $0x980, v0;
	v1 =	vsel vm12, $0x1980, v1  }
0x11: {  	vm14 =	vcmask $0x3734;
	s13 =	sadd.s32 $0xFFFFFFFF, s6;
	s30 =	sadd.s32 $0x2DC800, s18;
	[dreg:$0xb] =	wrdreg s26;
	v0 =	vsel vm13, $0xA00, v0;
	v1 =	vsel vm13, $0x1A00, v1  }
0x12: {  	vm15 =	vcmask $0x3B38;
	s2 =	simm.s32 $0x0;
	s16 =	sadd.s32 s5, s13;
	[dreg:$0xd] =	wrdreg s30;
	v0 =	vsel vm14, $0xA80, v0;
	v1 =	vsel vm14, $0x1A80, v1  }
0x13: {  	s22 =	simm.s32 $0x1000;
	s23 =	simm.s32 $0x1800;
	s24 =	simm.s32 $0x2000;
	v0 =	vsel vm15, $0xB00, v0;
	v1 =	vsel vm15, $0x1B00, v1  }
.LBB2_15:
0x14: {  	s2 =	sadd.s32 $0x1, s2;
	s0 =	rddreg [dreg:$0xc]  }
0x15: {  	p1 =	sne.s32 s2, s0  }
.Ltmp1:
0x16: {  	_ = 	snop;
	(pc) =	sbr.rel @!p1 .LBB2_16-.Ltmp1, $1  }
0x17: {  	_ =	sdelay $0x3  }
.LBB2_1:
0x18: {  	s0 =	rddreg [dreg:$0x3]  }
0x19: {  	[tilespmem:s4], [sflag:$0x1] =	stream.linear.gather [hbm4b:s0+s4], $0x400, $0x38;
	[tilespmem:$0x6000] =	vst v63  }
0x1a: {  	s14 =	rddreg [dreg:$0x8]  }
0x1b: {  	[tilespmem:s21], [sflag:$0x1] =	stream.linear.gather [hbm4b:s14+s4], $0x400, $0x38;
	[tilespmem:$0x6000] =	vst v63  }
0x1c: {  	s15 =	rddreg [dreg:$0x7]  }
0x1d: {  	[tilespmem:s22], [sflag:$0x1] =	stream.linear.gather [hbm4b:s15+s4], $0x400, $0x38;
	[tilespmem:$0x6000] =	vst v63  }
0x1e: {  	s17 =	rddreg [dreg:$0x9]  }
0x1f: {  	[tilespmem:s23], [sflag:$0x1] =	stream.linear.gather [hbm4b:s17+s4], $0x400, $0x38;
	[tilespmem:$0x6000] =	vst v63  }
0x20: {  	s18 =	rddreg [dreg:$0x5]  }
0x21: {  	[tilespmem:s24], [sflag:$0x2] =	stream.linear.gather [hbm4b:s18+s4], $0x400, $0x38;
	[tilespmem:$0x6000] =	vst v63  }
0x22: {  	s19 =	rddreg [dreg:$0xa];
	s20 =	simm.s32 $0x2800  }
0x23: {  	[tilespmem:s20], [sflag:$0x2] =	stream.linear.gather [hbm4b:s19+s4], $0x400, $0x38;
	[tilespmem:$0x6000] =	vst v63  }
.Ltmp2:
0x24: {  	[dreg:$0xe] =	wrdreg s2;
	(pc) =	sbr.rel .LBB2_2-.Ltmp2, $4  }
0x25: {  	s25 =	rddreg [dreg:$0xb];
	s26 =	simm.s32 $0x3000  }
0x26: {  	[tilespmem:s26], [sflag:$0x2] =	stream.linear.gather [hbm4b:s25+s4], $0x400, $0x38;
	[tilespmem:$0x6000] =	vst v63  }
0x27: {  	s30 =	rddreg [dreg:$0xd];
	s14 =	simm.s32 $0x0  }
0x28: {  	[tilespmem:s28], [sflag:$0x2] =	stream.linear.gather [hbm4b:s30+s4], $0x400, $0x38;
	[tilespmem:$0x6000] =	vst v63  }
.LBB2_10:
0x29: {  	s14 =	sadd.s32 $0x1, s14  }
0x2a: {  	p1 =	sne.s32 s14, $0x7B  }
.Ltmp3:
0x2b: {  	_ = 	snop;
	(pc) =	sbr.rel @!p1 .LBB2_11-.Ltmp3, $1  }
0x2c: {  	_ =	sdelay $0x3  }
.LBB2_2:
0x2d: {  	s17 =	sshll.u32 s14, $0x1  }
0x2e: {  	p2 =	sge.u32 s17, s6  }
.Ltmp4:
0x2f: {  	_ = 	snop;
	(pc) =	sbr.rel @p2 .LBB2_6-.Ltmp4, $2  }
0x30: {  	_ =	sdelay $0x2  }
0x31: {  	p1 =	seq.s32 s14, $0x0;
	s15 =	sadd.s32 s5, s17  }
0x32: {  	_ =	swait.ge [sflag:s29], $0x1000;
	s7 =	simm.s32 $0x0  }
0x33: {  	s0 =	simm.s32 $0x7;
	[sflag:s29] =	ssyncset.done $0x0;
	v2 =	vor.u32 s7, v0  }
0x34: {  	s9 =	simm.s32 @!p1 $0x3;
	s10 =	simm.s32 $0x1;
	v3 =	vor.u32 s0, v0;
	[sflag:s29] =	ssyncadd.s32 $0xFFFFF000  }
0x35: {  	s18 =	simm.s32 $0x2;
	v4 =	vor.u32 s10, v0;
	_ =	swait.ge @!p1 [sflag:s9], $0x1000  }
0x36: {  	s19 =	simm.s32 $0x3;
	v5 =	vor.u32 s18, v0;
	[sflag:s9] =	ssyncset.done @!p1 $0x0  }
0x37: {  	s20 =	simm.s32 $0x5;
	v6 =	vor.u32 s19, v0;
	[sflag:s9] =	ssyncadd.s32 @!p1 $0xFFFFF000  }
0x38: {  	s11 =	simm.s32 $0x6;
	v8 =	vor.u32 s20, v0;
	v7 =	vld.idx.msk [tilespmem:v2+s4+$0x0], $0xffff  }
0x39: {  	s12 =	simm.s32 $0x4;
	v9 =	vor.u32 s11, v0;
	v3 =	vld.idx.msk [tilespmem:v3+s4+$0x0], $0xffff  }
0x3a: {  	v2 =	vor.u32 s12, v0;
	v4 =	vld.idx.msk [tilespmem:v4+s4+$0x0], $0xffff  }
0x3b: {  	v10 =	vor.u32 s0, v1;
	v5 =	vld.idx.msk [tilespmem:v5+s4+$0x0], $0xffff  }
0x3c: {  	v11 =	vor.u32 s10, v1;
	v6 =	vld.idx.msk [tilespmem:v6+s4+$0x0], $0xffff  }
0x3d: {  	v12 =	vor.u32 s18, v1;
	s0 =	simm.s32 $0x4070;
	v8 =	vld.idx.msk [tilespmem:v8+s4+$0x0], $0xffff  }
0x3e: {  	v13 =	vor.u32 s19, v1;
	v9 =	vld.idx.msk [tilespmem:v9+s4+$0x0], $0xffff;
	[tilespmem:s0+$0x70] =	vst v3  }
0x3f: {  	v2 =	vld.idx.msk [tilespmem:v2+s4+$0x0], $0xffff;
	[tilespmem:s0+$0xFFFFFFB0] =	vst v4;
	v3 =	vor.u32 s20, v1  }
0x40: {  	[tilespmem:s0+$0xFFFFFFD0] =	vst v5;
	v5 =	vor.u32 s11, v1;
	v4 =	vld.idx.msk [tilespmem:v10+s4+$0x0], $0xffff  }
0x41: {  	s26 =	simm.s32 $0xC;
	[tilespmem:s0+$0xFFFFFFF0] =	vst v6;
	v6 =	vor.u32 s7, v1;
	v10 =	vld.idx.msk [tilespmem:v11+s4+$0x0], $0xffff  }
0x42: {  	[tilespmem:s0+$0xFFFFFF90] =	vst v7;
	v7 =	vor.u32 s26, v0;
	v12 =	vld.idx.msk [tilespmem:v12+s4+$0x0], $0xffff  }
0x43: {  	v14 =	vor.u32 s12, v1;
	s10 =	simm.s32 $0x8;
	[tilespmem:s0+$0x30] =	vst v8;
	v13 =	vld.idx.msk [tilespmem:v13+s4+$0x0], $0xffff  }
0x44: {  	s9 =	simm.s32 $0xF;
	[tilespmem:s0+$0x50] =	vst v9;
	v11 =	vor.u32 s10, v0;
	v3 =	vld.idx.msk [tilespmem:v3+s4+$0x0], $0xffff  }
0x45: {  	s19 =	simm.s32 $0xE0;
	v15 =	vor.u32 s9, v0;
	s11 =	simm.s32 $0xA;
	v5 =	vld.idx.msk [tilespmem:v5+s4+$0x0], $0xffff  }
0x46: {  	s7 =	simm.s32 $0x9;
	s20 =	sor.u32 $0x70, s19;
	v9 =	vor.u32 s11, v0;
	[tilespmem:s0+$0x10] =	vst v2;
	v6 =	vld.idx.msk [tilespmem:v6+s4+$0x0], $0xffff  }
0x47: {  	s25 =	simm.s32 $0xB;
	v8 =	vor.u32 s7, v0;
	v17 =	vld.idx.msk [tilespmem:v7+s4+$0x0], $0xffff;
	[tilespmem:s20+$0x4000] =	vst v4  }
0x48: {  	s12 =	simm.s32 $0xD;
	v14 =	vld.idx.msk [tilespmem:v14+s4+$0x0], $0xffff;
	v4 =	vor.u32 s25, v0;
	[tilespmem:s0+$0xFFFFFFC0] =	vst v10  }
0x49: {  	s3 =	simm.s32 $0xE;
	s2 =	simm.s32 $0xA0;
	v2 =	vld.idx.msk [tilespmem:v11+s4+$0x0], $0xffff;
	v10 =	vor.u32 s12, v0;
	[tilespmem:s0+$0xFFFFFFE0] =	vst v12  }
0x4a: {  	s30 =	simm.s32 $0xC0;
	s2 =	sor.u32 $0x30, s2;
	v11 =	vld.idx.msk [tilespmem:v15+s4+$0x0], $0xffff;
	v12 =	vor.u32 s3, v0;
	[tilespmem:s0+$0x0] =	vst v13  }
0x4b: {  	s30 =	sor.u32 $0x50, s30;
	v13 =	vld.idx.msk [tilespmem:v9+s4+$0x0], $0xffff;
	v15 =	vor.u32 s9, v1;
	[tilespmem:s2+$0x4000] =	vst v3  }
0x4c: {  	v8 =	vld.idx.msk [tilespmem:v8+s4+$0x0], $0xffff;
	v3 =	vor.u32 s11, v1;
	[tilespmem:s30+$0x4000] =	vst v5  }
0x4d: {  	[tilespmem:s0+$0x20] =	vst v14;
	v14 =	vor.u32 s7, v1;
	v16 =	vld.idx.msk [tilespmem:v4+s4+$0x0], $0xffff  }
0x4e: {  	v18 =	vor.u32 s25, v1;
	s20 =	simm.s32 $0x4170;
	[tilespmem:s0+$0xFFFFFFA0] =	vst v6;
	v10 =	vld.idx.msk [tilespmem:v10+s4+$0x0], $0xffff  }
0x4f: {  	v9 =	vld.idx.msk [tilespmem:v12+s4+$0x0], $0xffff;
	[tilespmem:s20+$0x70] =	vst v11;
	v12 =	vor.u32 s26, v1  }
0x50: {  	[tilespmem:s20+$0xFFFFFFD0] =	vst v13;
	v13 =	vor.u32 s12, v1;
	v7 =	vld.idx.msk [tilespmem:v15+s4+$0x0], $0xffff  }
0x51: {  	s18 =	simm.s32 $0x10;
	[tilespmem:s20+$0xFFFFFFB0] =	vst v8;
	v11 =	vor.u32 s3, v1;
	v5 =	vld.idx.msk [tilespmem:v3+s4+$0x0], $0xffff  }
0x52: {  	v3 =	vor.u32 s18, v0;
	v4 =	vld.idx.msk [tilespmem:v14+s4+$0x0], $0xffff;
	[tilespmem:s20+$0xFFFFFFF0] =	vst v16  }
0x53: {  	s9 =	simm.s32 $0x18;
	[tilespmem:s20+$0x10] =	vst v17;
	s7 =	simm.s32 $0x11;
	s0 =	simm.s32 $0x17;
	v8 =	vor.u32 s10, v1;
	v6 =	vld.idx.msk [tilespmem:v18+s4+$0x0], $0xffff  }
.LBB2_4:
0x54: {  	p2 =	slt.u32 s9, $0x78;
	s2 =	sadd.s32 $0x2, s18;
	v14 =	vor.u32 s0, v0;
	v12 =	vld.idx.msk [tilespmem:v12+s4+$0x0], $0xffff;
	[tilespmem:s20+$0x30] =	vst v10;
	s19 =	sadd.s32 $0x100, s19  }
0x55: {  	v10 =	vor.u32 s7, v0;
	s3 =	sadd.s32 $0xFFFFFFC0, s19;
	v13 =	vld.idx.msk [tilespmem:v13+s4+$0x0], $0xffff;
	s10 =	sadd.s32 $0xFFFFFFE0, s19;
	[tilespmem:s20+$0x50] =	vst v9;
	s11 =	sor.u32 $0x70, s19  }
0x56: {  	s12 =	sadd.s32 $0x3, s18;
	v9 =	vor.u32 s2, v0;
	s3 =	sor.u32 $0x30, s3;
	v11 =	vld.idx.msk [tilespmem:v11+s4+$0x0], $0xffff;
	s10 =	sor.u32 $0x50, s10;
	[tilespmem:s11+$0x4000] =	vst v7  }
0x57: {  	s30 =	smov.u32 s18;
	v7 =	vor.u32 s12, v0;
	s11 =	sadd.s32 $0x4, s18;
	s18 =	smov.u32 s9;
	[tilespmem:s20+$0xFFFFFF90] =	vst v2;
	v2 =	vld.idx.msk [tilespmem:v3+s4+$0x0], $0xffff  }
0x58: {  	s25 =	sadd.s32 $0x5, s30;
	v3 =	vor.u32 s11, v0;
	v8 =	vld.idx.msk [tilespmem:v8+s4+$0x0], $0xffff;
	[tilespmem:s20+$0xFFFFFFC0] =	vst v4  }
0x59: {  	s26 =	sadd.s32 $0x6, s30;
	v4 =	vor.u32 s25, v0;
	v14 =	vld.idx.msk [tilespmem:v14+s4+$0x0], $0xffff;
	[tilespmem:s20+$0xFFFFFFE0] =	vst v5  }
0x5a: {  	v15 =	vor.u32 s26, v0;
	v5 =	vld.idx.msk [tilespmem:v10+s4+$0x0], $0xffff;
	[tilespmem:s20+$0x0] =	vst v6  }
0x5b: {  	v16 =	vor.u32 s0, v1;
	v6 =	vld.idx.msk [tilespmem:v9+s4+$0x0], $0xffff;
	[tilespmem:s20+$0x20] =	vst v12  }
0x5c: {  	v17 =	vor.u32 s7, v1;
	v18 =	vld.idx.msk [tilespmem:v7+s4+$0x0], $0xffff;
	[tilespmem:s3+$0x4000] =	vst v13  }
0x5d: {  	v19 =	vor.u32 s2, v1;
	v20 =	vld.idx.msk [tilespmem:v3+s4+$0x0], $0xffff;
	[tilespmem:s10+$0x4000] =	vst v11  }
0x5e: {  	v21 =	vor.u32 s12, v1;
	v10 =	vld.idx.msk [tilespmem:v4+s4+$0x0], $0xffff;
	[tilespmem:s20+$0xFFFFFFA0] =	vst v8;
	s20 =	sadd.s32 $0x100, s20  }
.Ltmp5:
0x5f: {  	v12 =	vor.u32 s11, v1;
	v9 =	vld.idx.msk [tilespmem:v15+s4+$0x0], $0xffff;
	[tilespmem:s20+$0x70] =	vst v14;
	(pc) =	sbr.rel @p2 .LBB2_4-.Ltmp5, $4  }
0x60: {  	v13 =	vor.u32 s25, v1;
	[tilespmem:s20+$0xFFFFFFB0] =	vst v5;
	v7 =	vld.idx.msk [tilespmem:v16+s4+$0x0], $0xffff  }
0x61: {  	v11 =	vor.u32 s26, v1;
	v4 =	vld.idx.msk [tilespmem:v17+s4+$0x0], $0xffff;
	[tilespmem:s20+$0xFFFFFFD0] =	vst v6  }
0x62: {  	v3 =	vor.u32 s9, v0;
	v5 =	vld.idx.msk [tilespmem:v19+s4+$0x0], $0xffff;
	[tilespmem:s20+$0xFFFFFFF0] =	vst v18  }
0x63: {  	s7 =	sadd.s32 $0x1, s18;
	s0 =	sadd.s32 $0x7, s18;
	s9 =	sadd.s32 $0x8, s9;
	v8 =	vor.u32 s30, v1;
	v6 =	vld.idx.msk [tilespmem:v21+s4+$0x0], $0xffff;
	[tilespmem:s20+$0x10] =	vst v20  }
0x64: {  	_ =	sdelay $0x1  }
0x65: {  	[tilespmem:s20+$0x30] =	vst v10  }
0x66: {  	s2 =	sadd.s32 $0x100, s19;
	[tilespmem:s20+$0x50] =	vst v9  }
0x67: {  	v41 =	vor.u32 s0, v0;
	v42 =	vld.idx.msk [tilespmem:v12+s4+$0x0], $0xffff;
	[tilespmem:s20+$0xFFFFFF90] =	vst v2;
	s3 =	sor.u32 $0x70, s2  }
0x68: {  	s9 =	sadd.s32 $0x2, s18;
	v43 =	vor.u32 s7, v0;
	v3 =	vld.idx.msk [tilespmem:v3+s4+$0x0], $0xffff;
	[tilespmem:s3+$0x4000] =	vst v7  }
0x69: {  	s19 =	sadd.s32 $0x3, s18;
	v44 =	vld.idx.msk [tilespmem:v13+s4+$0x0], $0xffff;
	v45 =	vor.u32 s9, v0;
	[tilespmem:s20+$0xFFFFFFC0] =	vst v4  }
0x6a: {  	s10 =	sadd.s32 $0x4, s18;
	v2 =	vld.idx.msk [tilespmem:v11+s4+$0x0], $0xffff;
	v46 =	vor.u32 s19, v0;
	[tilespmem:s20+$0xFFFFFFE0] =	vst v5  }
0x6b: {  	s11 =	sadd.s32 $0x5, s18;
	v47 =	vor.u32 s10, v0;
	v8 =	vld.idx.msk [tilespmem:v8+s4+$0x0], $0xffff;
	[tilespmem:s20+$0x0] =	vst v6  }
0x6c: {  	s26 =	sadd.s32 $0x6, s18;
	s30 =	sadd.s32 $0x100, s20;
	s12 =	sadd.s32 $0xFFFFFFC0, s2;
	v48 =	vor.u32 s11, v0;
	v10 =	vld.idx.msk [tilespmem:v41+s4+$0x0], $0xffff;
	[tilespmem:s20+$0x20] =	vst v42  }
0x6d: {  	s25 =	sadd.s32 $0xFFFFFFE0, s2;
	v50 =	vor.u32 s26, v0;
	s12 =	sor.u32 $0x30, s12;
	v49 =	vld.idx.msk [tilespmem:v43+s4+$0x0], $0xffff;
	[tilespmem:s30+$0xFFFFFF90] =	vst v3  }
0x6e: {  	v52 =	vor.u32 s0, v1;
	s25 =	sor.u32 $0x50, s25;
	v51 =	vld.idx.msk [tilespmem:v45+s4+$0x0], $0xffff;
	[tilespmem:s12+$0x4000] =	vst v44  }
0x6f: {  	v53 =	vld.idx.msk [tilespmem:v46+s4+$0x0], $0xffff;
	[tilespmem:s25+$0x4000] =	vst v2;
	v2 =	vor.u32 s7, v1  }
0x70: {  	v54 =	vor.u32 s9, v1;
	v4 =	vld.idx.msk [tilespmem:v47+s4+$0x0], $0xffff;
	[tilespmem:s20+$0xFFFFFFA0] =	vst v8  }
0x71: {  	v55 =	vor.u32 s19, v1;
	v5 =	vld.idx.msk [tilespmem:v48+s4+$0x0], $0xffff;
	[tilespmem:s30+$0x70] =	vst v10  }
0x72: {  	v57 =	vor.u32 s10, v1;
	v56 =	vld.idx.msk [tilespmem:v50+s4+$0x0], $0xffff;
	[tilespmem:s30+$0xFFFFFFB0] =	vst v49  }
0x73: {  	v59 =	vor.u32 s11, v1;
	v58 =	vld.idx.msk [tilespmem:v52+s4+$0x0], $0xffff;
	[tilespmem:s30+$0xFFFFFFD0] =	vst v51  }
0x74: {  	v60 =	vor.u32 s26, v1;
	[tilespmem:s30+$0xFFFFFFF0] =	vst v53;
	v2 =	vld.idx.msk [tilespmem:v2+s4+$0x0], $0xffff  }
0x75: {  	v62 =	vor.u32 s18, v1;
	[tilespmem:s30+$0x10] =	vst v4;
	v61 =	vld.idx.msk [tilespmem:v54+s4+$0x0], $0xffff  }
0x76: {  	s2 =	sadd.s32 $0x100, s2;
	[tilespmem:s30+$0x30] =	vst v5;
	v63 =	vld.idx.msk [tilespmem:v55+s4+$0x0], $0xffff  }
0x77: {  	s9 =	sor.u32 $0x70, s2;
	[tilespmem:s30+$0x50] =	vst v56;
	v6 =	vld.idx.msk [tilespmem:v57+s4+$0x0], $0xffff  }
0x78: {  	v9 =	vld.idx.msk [tilespmem:v59+s4+$0x0], $0xffff;
	[tilespmem:s9+$0x4000] =	vst v58  }
0x79: {  	v3 =	vld.idx.msk [tilespmem:v60+s4+$0x0], $0xffff;
	[tilespmem:s30+$0xFFFFFFC0] =	vst v2  }
0x7a: {  	v2 =	vld.idx.msk [tilespmem:v62+s4+$0x0], $0xffff;
	[tilespmem:s30+$0xFFFFFFE0] =	vst v61  }
0x7b: {  	s10 =	sadd.s32 $0xFFFFFFC0, s2;
	[tilespmem:s30+$0x0] =	vst v63  }
0x7c: {  	s11 =	sadd.s32 $0x2, s15;
	s2 =	sadd.s32 $0xFFFFFFE0, s2;
	s3 =	sor.u32 $0x30, s10;
	[tilespmem:s30+$0x20] =	vst v6  }
0x7d: {  	s2 =	sor.u32 $0x50, s2;
	s12 =	smin.u32 s11, s16;
	[tilespmem:s3+$0x4000] =	vst v9  }
0x7e: {  	s18 =	sshll.u32 s12, $0x7;
	[tilespmem:s2+$0x4000] =	vst v3  }
0x7f: {  	s19 =	sadd.s32 s1, s18;
	[tilespmem:s30+$0xFFFFFFA0] =	vst v2  }
0x80: {  	[tilespmem:s4], [sflag:$0x1] =	stream.linear.gather [hbm4b:s19+s4], $0x400, $0x38;
	[tilespmem:$0x6000] =	vst v63  }
0x81: {  	s2 =	sadd.s32 $0xF4280, s19  }
0x82: {  	[tilespmem:s21], [sflag:$0x1] =	stream.linear.gather [hbm4b:s2+s4], $0x400, $0x38;
	[tilespmem:$0x6000] =	vst v63  }
0x83: {  	s20 =	sadd.s32 $0x1E8500, s19  }
0x84: {  	[tilespmem:s22], [sflag:$0x1] =	stream.linear.gather [hbm4b:s20+s4], $0x400, $0x38;
	[tilespmem:$0x6000] =	vst v63  }
0x85: {  	s25 =	sshll.u32 s15, $0x9;
	s0 =	sadd.s32 $0x2DC780, s19  }
0x86: {  	[tilespmem:s23], [sflag:$0x1] =	stream.linear.gather [hbm4b:s0+s4], $0x400, $0x38;
	[tilespmem:$0x6000] =	vst v63  }
0x87: {  	s26 =	rddreg [dreg:$0x1];
	s0 =	sand.u32 $0x1FFFFE00, s25  }
0x88: {  	s30 =	simm.s32 $0x4000;
	s0 =	sadd.s32 s26, s0  }
0x89: {  	[hbm4b:s0+s4] =	stream.linear.scatter [tilespmem:s30], [sflag:$0x3], $0x1000, $0x38;
	[tilespmem:$0x6000] =	vst v63  }
.LBB2_6:
0x8a: {  	p2 =	sge.u32 s17, s13  }
.Ltmp6:
0x8b: {  	_ = 	snop;
	(pc) =	sbr.rel @p2 .LBB2_10-.Ltmp6, $1  }
0x8c: {  	_ =	sdelay $0x3  }
0x8d: {  	_ =	swait.ge [sflag:s31], $0x1000;
	s2 =	simm.s32 $0x0  }
0x8e: {  	s0 =	simm.s32 $0x7;
	[sflag:s31] =	ssyncset.done $0x0;
	v2 =	vor.u32 s2, v0  }
0x8f: {  	s3 =	simm.s32 @!p1 $0x4;
	s7 =	simm.s32 $0x1;
	v3 =	vor.u32 s0, v0;
	[sflag:s31] =	ssyncadd.s32 $0xFFFFF000  }
0x90: {  	s9 =	simm.s32 $0x2;
	v4 =	vor.u32 s7, v0;
	_ =	swait.ge @!p1 [sflag:s3], $0x1000  }
0x91: {  	s10 =	simm.s32 $0x3;
	v5 =	vor.u32 s9, v0;
	[sflag:s3] =	ssyncset.done @!p1 $0x0  }
0x92: {  	s30 =	simm.s32 $0x4;
	v6 =	vor.u32 s10, v0;
	[sflag:s3] =	ssyncadd.s32 @!p1 $0xFFFFF000  }
0x93: {  	s11 =	simm.s32 $0x5;
	v7 =	vor.u32 s30, v0;
	v2 =	vld.idx.msk [tilespmem:v2+s24+$0x0], $0xffff  }
0x94: {  	s12 =	simm.s32 $0x6;
	v8 =	vor.u32 s11, v0;
	v3 =	vld.idx.msk [tilespmem:v3+s24+$0x0], $0xffff  }
0x95: {  	v10 =	vor.u32 s12, v0;
	v4 =	vld.idx.msk [tilespmem:v4+s24+$0x0], $0xffff  }
0x96: {  	v13 =	vor.u32 s7, v1;
	v5 =	vld.idx.msk [tilespmem:v5+s24+$0x0], $0xffff  }
0x97: {  	v11 =	vor.u32 s0, v1;
	v6 =	vld.idx.msk [tilespmem:v6+s24+$0x0], $0xffff  }
0x98: {  	v14 =	vor.u32 s9, v1;
	v15 =	vld.idx.msk [tilespmem:v7+s24+$0x0], $0xffff  }
0x99: {  	s18 =	simm.s32 $0x50F0;
	v16 =	vor.u32 s10, v1;
	v9 =	vld.idx.msk [tilespmem:v8+s24+$0x0], $0xffff  }
0x9a: {  	v12 =	vor.u32 s30, v1;
	v8 =	vld.idx.msk [tilespmem:v10+s24+$0x0], $0xffff;
	[tilespmem:s18+$0xFFFFFF30] =	vst v4  }
0x9b: {  	[tilespmem:s18+$0xFFFFFFF0] =	vst v3;
	v4 =	vld.idx.msk [tilespmem:v13+s24+$0x0], $0xffff;
	v13 =	vor.u32 s11, v1  }
0x9c: {  	s17 =	simm.s32 $0x8;
	[tilespmem:s18+$0xFFFFFF50] =	vst v5;
	v7 =	vld.idx.msk [tilespmem:v11+s24+$0x0], $0xffff;
	v11 =	vor.u32 s12, v1  }
0x9d: {  	[tilespmem:s18+$0xFFFFFF70] =	vst v6;
	v3 =	vor.u32 s17, v0;
	v5 =	vld.idx.msk [tilespmem:v14+s24+$0x0], $0xffff  }
0x9e: {  	s7 =	simm.s32 $0xF;
	s0 =	simm.s32 $0x10;
	v10 =	vor.u32 s2, v1;
	[tilespmem:s18+$0xFFFFFF90] =	vst v15;
	v6 =	vld.idx.msk [tilespmem:v16+s24+$0x0], $0xffff  }
.LBB2_8:
0x9f: {  	p1 =	slt.u32 s0, $0x78;
	s2 =	sadd.s32 $0x1, s17;
	v14 =	vor.u32 s7, v0;
	v12 =	vld.idx.msk [tilespmem:v12+s24+$0x0], $0xffff;
	[tilespmem:s18+$0xFFFFFFB0] =	vst v9  }
0xa0: {  	s3 =	sadd.s32 $0x2, s17;
	v9 =	vor.u32 s2, v0;
	v13 =	vld.idx.msk [tilespmem:v13+s24+$0x0], $0xffff;
	[tilespmem:s18+$0xFFFFFFD0] =	vst v8  }
0xa1: {  	s9 =	sadd.s32 $0x3, s17;
	v8 =	vor.u32 s3, v0;
	v11 =	vld.idx.msk [tilespmem:v11+s24+$0x0], $0xffff;
	[tilespmem:s18+$0x0] =	vst v7  }
0xa2: {  	s10 =	sadd.s32 $0x4, s17;
	v7 =	vor.u32 s9, v0;
	[tilespmem:s18+$0xFFFFFF10] =	vst v2;
	v2 =	vld.idx.msk [tilespmem:v3+s24+$0x0], $0xffff  }
0xa3: {  	s11 =	sadd.s32 $0x5, s17;
	v3 =	vor.u32 s10, v0;
	v10 =	vld.idx.msk [tilespmem:v10+s24+$0x0], $0xffff;
	[tilespmem:s18+$0xFFFFFF40] =	vst v4  }
0xa4: {  	s12 =	sadd.s32 $0x6, s17;
	v4 =	vor.u32 s11, v0;
	v14 =	vld.idx.msk [tilespmem:v14+s24+$0x0], $0xffff;
	[tilespmem:s18+$0xFFFFFF60] =	vst v5  }
0xa5: {  	v15 =	vor.u32 s12, v0;
	v5 =	vld.idx.msk [tilespmem:v9+s24+$0x0], $0xffff;
	[tilespmem:s18+$0xFFFFFF80] =	vst v6  }
0xa6: {  	v16 =	vor.u32 s7, v1;
	v6 =	vld.idx.msk [tilespmem:v8+s24+$0x0], $0xffff;
	[tilespmem:s18+$0xFFFFFFA0] =	vst v12  }
0xa7: {  	v17 =	vor.u32 s2, v1;
	v18 =	vld.idx.msk [tilespmem:v7+s24+$0x0], $0xffff;
	[tilespmem:s18+$0xFFFFFFC0] =	vst v13  }
0xa8: {  	v19 =	vor.u32 s3, v1;
	v20 =	vld.idx.msk [tilespmem:v3+s24+$0x0], $0xffff;
	[tilespmem:s18+$0xFFFFFFE0] =	vst v11  }
0xa9: {  	v21 =	vor.u32 s9, v1;
	v9 =	vld.idx.msk [tilespmem:v4+s24+$0x0], $0xffff;
	[tilespmem:s18+$0xFFFFFF20] =	vst v10;
	s18 =	sadd.s32 $0x100, s18  }
.Ltmp7:
0xaa: {  	v12 =	vor.u32 s10, v1;
	v8 =	vld.idx.msk [tilespmem:v15+s24+$0x0], $0xffff;
	[tilespmem:s18+$0xFFFFFFF0] =	vst v14;
	(pc) =	sbr.rel @p1 .LBB2_8-.Ltmp7, $4  }
0xab: {  	v13 =	vor.u32 s11, v1;
	[tilespmem:s18+$0xFFFFFF30] =	vst v5;
	v7 =	vld.idx.msk [tilespmem:v16+s24+$0x0], $0xffff  }
0xac: {  	v11 =	vor.u32 s12, v1;
	v4 =	vld.idx.msk [tilespmem:v17+s24+$0x0], $0xffff;
	[tilespmem:s18+$0xFFFFFF50] =	vst v6  }
0xad: {  	v3 =	vor.u32 s0, v0;
	v5 =	vld.idx.msk [tilespmem:v19+s24+$0x0], $0xffff;
	[tilespmem:s18+$0xFFFFFF70] =	vst v18  }
0xae: {  	s7 =	sadd.s32 $0x7, s0;
	v10 =	vor.u32 s17, v1;
	s17 =	smov.u32 s0;
	s0 =	sadd.s32 $0x8, s0;
	v6 =	vld.idx.msk [tilespmem:v21+s24+$0x0], $0xffff;
	[tilespmem:s18+$0xFFFFFF90] =	vst v20  }
0xaf: {  	_ =	sdelay $0x1  }
0xb0: {  	[tilespmem:s18+$0xFFFFFFB0] =	vst v9  }
0xb1: {  	[tilespmem:s18+$0xFFFFFFD0] =	vst v8  }
0xb2: {  	s0 =	sadd.s32 $0x1, s17;
	v41 =	vor.u32 s7, v0;
	v42 =	vld.idx.msk [tilespmem:v12+s24+$0x0], $0xffff;
	[tilespmem:s18+$0xFFFFFF10] =	vst v2  }
0xb3: {  	s2 =	sadd.s32 $0x2, s17;
	v3 =	vld.idx.msk [tilespmem:v3+s24+$0x0], $0xffff;
	v43 =	vor.u32 s0, v0;
	[tilespmem:s18+$0x0] =	vst v7  }
0xb4: {  	s3 =	sadd.s32 $0x3, s17;
	v44 =	vld.idx.msk [tilespmem:v13+s24+$0x0], $0xffff;
	v45 =	vor.u32 s2, v0;
	[tilespmem:s18+$0xFFFFFF40] =	vst v4  }
0xb5: {  	s9 =	sadd.s32 $0x4, s17;
	v2 =	vld.idx.msk [tilespmem:v11+s24+$0x0], $0xffff;
	v46 =	vor.u32 s3, v0;
	[tilespmem:s18+$0xFFFFFF60] =	vst v5  }
0xb6: {  	s10 =	sadd.s32 $0x5, s17;
	v47 =	vor.u32 s9, v0;
	v10 =	vld.idx.msk [tilespmem:v10+s24+$0x0], $0xffff;
	[tilespmem:s18+$0xFFFFFF80] =	vst v6  }
0xb7: {  	s11 =	sadd.s32 $0x6, s17;
	s12 =	sadd.s32 $0x100, s18;
	v48 =	vor.u32 s10, v0;
	v9 =	vld.idx.msk [tilespmem:v41+s24+$0x0], $0xffff;
	[tilespmem:s18+$0xFFFFFFA0] =	vst v42  }
0xb8: {  	v50 =	vor.u32 s11, v0;
	[tilespmem:s12+$0xFFFFFF10] =	vst v3;
	v49 =	vld.idx.msk [tilespmem:v43+s24+$0x0], $0xffff  }
0xb9: {  	v52 =	vor.u32 s7, v1;
	v51 =	vld.idx.msk [tilespmem:v45+s24+$0x0], $0xffff;
	[tilespmem:s18+$0xFFFFFFC0] =	vst v44  }
0xba: {  	v53 =	vld.idx.msk [tilespmem:v46+s24+$0x0], $0xffff;
	[tilespmem:s18+$0xFFFFFFE0] =	vst v2;
	v2 =	vor.u32 s0, v1  }
0xbb: {  	v54 =	vor.u32 s2, v1;
	v4 =	vld.idx.msk [tilespmem:v47+s24+$0x0], $0xffff;
	[tilespmem:s18+$0xFFFFFF20] =	vst v10  }
0xbc: {  	v55 =	vor.u32 s3, v1;
	v5 =	vld.idx.msk [tilespmem:v48+s24+$0x0], $0xffff;
	[tilespmem:s12+$0xFFFFFFF0] =	vst v9  }
0xbd: {  	v57 =	vor.u32 s9, v1;
	v56 =	vld.idx.msk [tilespmem:v50+s24+$0x0], $0xffff;
	[tilespmem:s12+$0xFFFFFF30] =	vst v49  }
0xbe: {  	v59 =	vor.u32 s10, v1;
	v58 =	vld.idx.msk [tilespmem:v52+s24+$0x0], $0xffff;
	[tilespmem:s12+$0xFFFFFF50] =	vst v51  }
0xbf: {  	v60 =	vor.u32 s11, v1;
	[tilespmem:s12+$0xFFFFFF70] =	vst v53;
	v2 =	vld.idx.msk [tilespmem:v2+s24+$0x0], $0xffff  }
0xc0: {  	v62 =	vor.u32 s17, v1;
	[tilespmem:s12+$0xFFFFFF90] =	vst v4;
	v61 =	vld.idx.msk [tilespmem:v54+s24+$0x0], $0xffff  }
0xc1: {  	[tilespmem:s12+$0xFFFFFFB0] =	vst v5;
	v63 =	vld.idx.msk [tilespmem:v55+s24+$0x0], $0xffff  }
0xc2: {  	[tilespmem:s12+$0xFFFFFFD0] =	vst v56;
	v6 =	vld.idx.msk [tilespmem:v57+s24+$0x0], $0xffff  }
0xc3: {  	v8 =	vld.idx.msk [tilespmem:v59+s24+$0x0], $0xffff;
	[tilespmem:s12+$0x0] =	vst v58  }
0xc4: {  	v3 =	vld.idx.msk [tilespmem:v60+s24+$0x0], $0xffff;
	[tilespmem:s12+$0xFFFFFF40] =	vst v2  }
0xc5: {  	v2 =	vld.idx.msk [tilespmem:v62+s24+$0x0], $0xffff;
	[tilespmem:s12+$0xFFFFFF60] =	vst v61  }
0xc6: {  	[tilespmem:s12+$0xFFFFFF80] =	vst v63  }
0xc7: {  	s17 =	sadd.s32 $0x3, s15;
	[tilespmem:s12+$0xFFFFFFA0] =	vst v6  }
0xc8: {  	s2 =	smin.u32 s17, s16;
	[tilespmem:s12+$0xFFFFFFC0] =	vst v8  }
0xc9: {  	s2 =	sshll.u32 s2, $0x7;
	[tilespmem:s12+$0xFFFFFFE0] =	vst v3  }
0xca: {  	s18 =	sadd.s32 s1, s2;
	[tilespmem:s12+$0xFFFFFF20] =	vst v2  }
0xcb: {  	[tilespmem:s24], [sflag:$0x2] =	stream.linear.gather [hbm4b:s18+s4], $0x400, $0x38;
	[tilespmem:$0x6000] =	vst v63  }
0xcc: {  	s19 =	simm.s32 $0x2800;
	s2 =	sadd.s32 $0xF4280, s18  }
0xcd: {  	[tilespmem:s19], [sflag:$0x2] =	stream.linear.gather [hbm4b:s2+s4], $0x400, $0x38;
	[tilespmem:$0x6000] =	vst v63  }
0xce: {  	s25 =	simm.s32 $0x3000;
	s20 =	sadd.s32 $0x1E8500, s18  }
0xcf: {  	[tilespmem:s25], [sflag:$0x2] =	stream.linear.gather [hbm4b:s20+s4], $0x400, $0x38;
	[tilespmem:$0x6000] =	vst v63  }
.Ltmp8:
0xd0: {  	_ = 	snop;
	(pc) =	sbr.rel .LBB2_10-.Ltmp8, $4  }
0xd1: {  	s26 =	sshll.u32 s15, $0x9;
	s0 =	sadd.s32 $0x2DC780, s18  }
0xd2: {  	[tilespmem:s28], [sflag:$0x2] =	stream.linear.gather [hbm4b:s0+s4], $0x400, $0x38;
	[tilespmem:$0x6000] =	vst v63  }
0xd3: {  	s30 =	simm.s32 $0x5000;
	s0 =	sadd.s32 s26, s8  }
0xd4: {  	[hbm4b:s0+s4] =	stream.linear.scatter [tilespmem:s30], [sflag:$0x4], $0x1000, $0x38;
	[tilespmem:$0x6000] =	vst v63  }
.LBB2_11:
0xd5: {  	s0 =	simm.s32 $0x3  }
0xd6: {  	_ =	swait.ge [sflag:s0], $0x1000  }
0xd7: {  	[sflag:s0] =	ssyncset.done $0x0  }
0xd8: {  	s30 =	simm.s32 $0x4;
	[sflag:s0] =	ssyncadd.s32 $0xFFFFF000  }
0xd9: {  	_ =	swait.ge [sflag:s30], $0x1000  }
0xda: {  	[sflag:s30] =	ssyncset.done $0x0  }
0xdb: {  	[sflag:s30] =	ssyncadd.s32 $0xFFFFF000  }
0xdc: {  	_ =	swait.ge [sflag:s29], $0x1000  }
.Ltmp9:
0xdd: {  	[sflag:s29] =	ssyncset.done $0x0;
	(pc) =	sbr.rel @p0 .LBB2_15-.Ltmp9, $4  }
0xde: {  	[sflag:s29] =	ssyncadd.s32 $0xFFFFF000  }
0xdf: {  	_ =	swait.ge [sflag:s31], $0x1000  }
0xe0: {  	[sflag:s31] =	ssyncset.done $0x0  }
0xe1: {  	s2 =	rddreg [dreg:$0xe];
	[sflag:s31] =	ssyncadd.s32 $0xFFFFF000  }
0xe2: {  	s2 =	simm.s32 $0x0;
	s3 =	rddreg [dreg:$0x6]  }
0xe3: {  	[tilespmem:s2], [sflag:$0x5] =	stream.linear.gather [hbm4b:s3+s2], $0x400, $0x38;
	[tilespmem:$0x6000] =	vst v63  }
0xe4: {  	s0 =	sadd.s32 $0xF4280, s3  }
0xe5: {  	[tilespmem:s21], [sflag:$0x5] =	stream.linear.gather [hbm4b:s0+s2], $0x400, $0x38;
	[tilespmem:$0x6000] =	vst v63  }
0xe6: {  	s25 =	simm.s32 $0x7;
	s19 =	sadd.s32 $0x1E8500, s3  }
0xe7: {  	[tilespmem:s22], [sflag:$0x5] =	stream.linear.gather [hbm4b:s19+s2], $0x400, $0x38;
	[tilespmem:$0x6000] =	vst v63  }
0xe8: {  	s26 =	simm.s32 $0x1;
	s10 =	simm.s32 $0x5;
	s20 =	sadd.s32 $0x2DC780, s3;
	v2 =	vor.u32 s2, v0  }
0xe9: {  	v3 =	vor.u32 s25, v0;
	[tilespmem:s23], [sflag:$0x5] =	stream.linear.gather [hbm4b:s20+s2], $0x400, $0x38;
	[tilespmem:$0x6000] =	vst v63  }
0xea: {  	s7 =	simm.s32 $0x2;
	v4 =	vor.u32 s26, v0;
	_ =	swait.ge [sflag:s10], $0x1000  }
0xeb: {  	s9 =	simm.s32 $0x3;
	v5 =	vor.u32 s7, v0;
	[sflag:s10] =	ssyncset.done $0x0  }
0xec: {  	s11 =	simm.s32 $0x5;
	v6 =	vor.u32 s9, v0;
	[sflag:s10] =	ssyncadd.s32 $0xFFFFF000  }
0xed: {  	s12 =	simm.s32 $0x6;
	v8 =	vor.u32 s11, v0;
	v7 =	vld.idx.msk [tilespmem:v2+s4+$0x0], $0xffff  }
0xee: {  	s30 =	simm.s32 $0x4;
	v9 =	vor.u32 s12, v0;
	v3 =	vld.idx.msk [tilespmem:v3+s4+$0x0], $0xffff  }
0xef: {  	v2 =	vor.u32 s30, v0;
	v4 =	vld.idx.msk [tilespmem:v4+s4+$0x0], $0xffff  }
0xf0: {  	v10 =	vor.u32 s25, v1;
	v5 =	vld.idx.msk [tilespmem:v5+s4+$0x0], $0xffff  }
0xf1: {  	v11 =	vor.u32 s26, v1;
	v6 =	vld.idx.msk [tilespmem:v6+s4+$0x0], $0xffff  }
0xf2: {  	v12 =	vor.u32 s7, v1;
	s0 =	simm.s32 $0x4070;
	v8 =	vld.idx.msk [tilespmem:v8+s4+$0x0], $0xffff  }
0xf3: {  	v13 =	vor.u32 s9, v1;
	v9 =	vld.idx.msk [tilespmem:v9+s4+$0x0], $0xffff;
	[tilespmem:s0+$0x70] =	vst v3  }
0xf4: {  	v2 =	vld.idx.msk [tilespmem:v2+s4+$0x0], $0xffff;
	[tilespmem:s0+$0xFFFFFFB0] =	vst v4;
	v3 =	vor.u32 s11, v1  }
0xf5: {  	[tilespmem:s0+$0xFFFFFFD0] =	vst v5;
	v5 =	vor.u32 s12, v1;
	v4 =	vld.idx.msk [tilespmem:v10+s4+$0x0], $0xffff  }
0xf6: {  	s25 =	simm.s32 $0xC;
	[tilespmem:s0+$0xFFFFFFF0] =	vst v6;
	v6 =	vor.u32 s2, v1;
	v10 =	vld.idx.msk [tilespmem:v11+s4+$0x0], $0xffff  }
0xf7: {  	[tilespmem:s0+$0xFFFFFF90] =	vst v7;
	v7 =	vor.u32 s25, v0;
	v12 =	vld.idx.msk [tilespmem:v12+s4+$0x0], $0xffff  }
0xf8: {  	v14 =	vor.u32 s30, v1;
	s10 =	simm.s32 $0x8;
	[tilespmem:s0+$0x30] =	vst v8;
	v13 =	vld.idx.msk [tilespmem:v13+s4+$0x0], $0xffff  }
0xf9: {  	s7 =	simm.s32 $0xF;
	[tilespmem:s0+$0x50] =	vst v9;
	v11 =	vor.u32 s10, v0;
	v3 =	vld.idx.msk [tilespmem:v3+s4+$0x0], $0xffff  }
0xfa: {  	s15 =	simm.s32 $0xE0;
	v15 =	vor.u32 s7, v0;
	s12 =	simm.s32 $0xA;
	v5 =	vld.idx.msk [tilespmem:v5+s4+$0x0], $0xffff  }
0xfb: {  	s19 =	sor.u32 $0x70, s15;
	s11 =	simm.s32 $0x9;
	v9 =	vor.u32 s12, v0;
	[tilespmem:s0+$0x10] =	vst v2;
	v6 =	vld.idx.msk [tilespmem:v6+s4+$0x0], $0xffff  }
0xfc: {  	s20 =	simm.s32 $0xB;
	v8 =	vor.u32 s11, v0;
	v17 =	vld.idx.msk [tilespmem:v7+s4+$0x0], $0xffff;
	[tilespmem:s19+$0x4000] =	vst v4  }
0xfd: {  	s26 =	simm.s32 $0xD;
	v14 =	vld.idx.msk [tilespmem:v14+s4+$0x0], $0xffff;
	v4 =	vor.u32 s20, v0;
	[tilespmem:s0+$0xFFFFFFC0] =	vst v10  }
0xfe: {  	s18 =	simm.s32 $0xE;
	s14 =	simm.s32 $0xA0;
	v2 =	vld.idx.msk [tilespmem:v11+s4+$0x0], $0xffff;
	v10 =	vor.u32 s26, v0;
	[tilespmem:s0+$0xFFFFFFE0] =	vst v12  }
0xff: {  	s17 =	simm.s32 $0xC0;
	s14 =	sor.u32 $0x30, s14;
	v11 =	vld.idx.msk [tilespmem:v15+s4+$0x0], $0xffff;
	v12 =	vor.u32 s18, v0;
	[tilespmem:s0+$0x0] =	vst v13  }
0x100: {  	s30 =	sor.u32 $0x50, s17;
	v13 =	vld.idx.msk [tilespmem:v9+s4+$0x0], $0xffff;
	v15 =	vor.u32 s7, v1;
	[tilespmem:s14+$0x4000] =	vst v3  }
0x101: {  	v8 =	vld.idx.msk [tilespmem:v8+s4+$0x0], $0xffff;
	v3 =	vor.u32 s12, v1;
	[tilespmem:s30+$0x4000] =	vst v5  }
0x102: {  	[tilespmem:s0+$0x20] =	vst v14;
	v14 =	vor.u32 s11, v1;
	v16 =	vld.idx.msk [tilespmem:v4+s4+$0x0], $0xffff  }
0x103: {  	v18 =	vor.u32 s20, v1;
	s17 =	simm.s32 $0x4170;
	[tilespmem:s0+$0xFFFFFFA0] =	vst v6;
	v10 =	vld.idx.msk [tilespmem:v10+s4+$0x0], $0xffff  }
0x104: {  	v9 =	vld.idx.msk [tilespmem:v12+s4+$0x0], $0xffff;
	[tilespmem:s17+$0x70] =	vst v11;
	v12 =	vor.u32 s25, v1  }
0x105: {  	[tilespmem:s17+$0xFFFFFFD0] =	vst v13;
	v13 =	vor.u32 s26, v1;
	v7 =	vld.idx.msk [tilespmem:v15+s4+$0x0], $0xffff  }
0x106: {  	s14 =	simm.s32 $0x10;
	[tilespmem:s17+$0xFFFFFFB0] =	vst v8;
	v11 =	vor.u32 s18, v1;
	v5 =	vld.idx.msk [tilespmem:v3+s4+$0x0], $0xffff  }
0x107: {  	v3 =	vor.u32 s14, v0;
	v4 =	vld.idx.msk [tilespmem:v14+s4+$0x0], $0xffff;
	[tilespmem:s17+$0xFFFFFFF0] =	vst v16  }
0x108: {  	s9 =	simm.s32 $0x18;
	s7 =	simm.s32 $0x11;
	[tilespmem:s17+$0x10] =	vst v17;
	s0 =	simm.s32 $0x17;
	v8 =	vor.u32 s10, v1;
	v6 =	vld.idx.msk [tilespmem:v18+s4+$0x0], $0xffff  }
.LBB2_13:
0x109: {  	p1 =	slt.u32 s9, $0x38;
	s2 =	sadd.s32 $0x2, s14;
	v14 =	vor.u32 s0, v0;
	v12 =	vld.idx.msk [tilespmem:v12+s4+$0x0], $0xffff;
	[tilespmem:s17+$0x30] =	vst v10;
	s15 =	sadd.s32 $0x100, s15  }
0x10a: {  	v10 =	vor.u32 s7, v0;
	s3 =	sadd.s32 $0xFFFFFFC0, s15;
	v13 =	vld.idx.msk [tilespmem:v13+s4+$0x0], $0xffff;
	s10 =	sadd.s32 $0xFFFFFFE0, s15;
	[tilespmem:s17+$0x50] =	vst v9;
	s11 =	sor.u32 $0x70, s15  }
0x10b: {  	s12 =	sadd.s32 $0x3, s14;
	v9 =	vor.u32 s2, v0;
	s3 =	sor.u32 $0x30, s3;
	v11 =	vld.idx.msk [tilespmem:v11+s4+$0x0], $0xffff;
	s10 =	sor.u32 $0x50, s10;
	[tilespmem:s11+$0x4000] =	vst v7  }
0x10c: {  	s18 =	smov.u32 s14;
	v7 =	vor.u32 s12, v0;
	s11 =	sadd.s32 $0x4, s14;
	s14 =	smov.u32 s9;
	[tilespmem:s17+$0xFFFFFF90] =	vst v2;
	v2 =	vld.idx.msk [tilespmem:v3+s4+$0x0], $0xffff  }
0x10d: {  	s19 =	sadd.s32 $0x5, s18;
	v3 =	vor.u32 s11, v0;
	v8 =	vld.idx.msk [tilespmem:v8+s4+$0x0], $0xffff;
	[tilespmem:s17+$0xFFFFFFC0] =	vst v4  }
0x10e: {  	s20 =	sadd.s32 $0x6, s18;
	v4 =	vor.u32 s19, v0;
	v14 =	vld.idx.msk [tilespmem:v14+s4+$0x0], $0xffff;
	[tilespmem:s17+$0xFFFFFFE0] =	vst v5  }
0x10f: {  	v15 =	vor.u32 s20, v0;
	v5 =	vld.idx.msk [tilespmem:v10+s4+$0x0], $0xffff;
	[tilespmem:s17+$0x0] =	vst v6  }
0x110: {  	v16 =	vor.u32 s0, v1;
	v6 =	vld.idx.msk [tilespmem:v9+s4+$0x0], $0xffff;
	[tilespmem:s17+$0x20] =	vst v12  }
0x111: {  	v17 =	vor.u32 s7, v1;
	v18 =	vld.idx.msk [tilespmem:v7+s4+$0x0], $0xffff;
	[tilespmem:s3+$0x4000] =	vst v13  }
0x112: {  	v19 =	vor.u32 s2, v1;
	v20 =	vld.idx.msk [tilespmem:v3+s4+$0x0], $0xffff;
	[tilespmem:s10+$0x4000] =	vst v11  }
0x113: {  	v21 =	vor.u32 s12, v1;
	v10 =	vld.idx.msk [tilespmem:v4+s4+$0x0], $0xffff;
	[tilespmem:s17+$0xFFFFFFA0] =	vst v8;
	s17 =	sadd.s32 $0x100, s17  }
.Ltmp10:
0x114: {  	v12 =	vor.u32 s11, v1;
	v9 =	vld.idx.msk [tilespmem:v15+s4+$0x0], $0xffff;
	[tilespmem:s17+$0x70] =	vst v14;
	(pc) =	sbr.rel @p1 .LBB2_13-.Ltmp10, $4  }
0x115: {  	v13 =	vor.u32 s19, v1;
	[tilespmem:s17+$0xFFFFFFB0] =	vst v5;
	v7 =	vld.idx.msk [tilespmem:v16+s4+$0x0], $0xffff  }
0x116: {  	v11 =	vor.u32 s20, v1;
	v4 =	vld.idx.msk [tilespmem:v17+s4+$0x0], $0xffff;
	[tilespmem:s17+$0xFFFFFFD0] =	vst v6  }
0x117: {  	v3 =	vor.u32 s9, v0;
	v5 =	vld.idx.msk [tilespmem:v19+s4+$0x0], $0xffff;
	[tilespmem:s17+$0xFFFFFFF0] =	vst v18  }
0x118: {  	s7 =	sadd.s32 $0x1, s14;
	s0 =	sadd.s32 $0x7, s14;
	s9 =	sadd.s32 $0x8, s9;
	v8 =	vor.u32 s18, v1;
	v6 =	vld.idx.msk [tilespmem:v21+s4+$0x0], $0xffff;
	[tilespmem:s17+$0x10] =	vst v20  }
0x119: {  	_ =	sdelay $0x1  }
0x11a: {  	[tilespmem:s17+$0x30] =	vst v10  }
0x11b: {  	s2 =	sadd.s32 $0x100, s15;
	[tilespmem:s17+$0x50] =	vst v9  }
0x11c: {  	v41 =	vor.u32 s0, v0;
	v42 =	vld.idx.msk [tilespmem:v12+s4+$0x0], $0xffff;
	[tilespmem:s17+$0xFFFFFF90] =	vst v2;
	s3 =	sor.u32 $0x70, s2  }
0x11d: {  	s9 =	sadd.s32 $0x2, s14;
	v43 =	vor.u32 s7, v0;
	v3 =	vld.idx.msk [tilespmem:v3+s4+$0x0], $0xffff;
	[tilespmem:s3+$0x4000] =	vst v7  }
0x11e: {  	s26 =	sadd.s32 $0x3, s14;
	v44 =	vld.idx.msk [tilespmem:v13+s4+$0x0], $0xffff;
	v45 =	vor.u32 s9, v0;
	[tilespmem:s17+$0xFFFFFFC0] =	vst v4  }
0x11f: {  	s10 =	sadd.s32 $0x4, s14;
	v2 =	vld.idx.msk [tilespmem:v11+s4+$0x0], $0xffff;
	v46 =	vor.u32 s26, v0;
	[tilespmem:s17+$0xFFFFFFE0] =	vst v5  }
0x120: {  	s11 =	sadd.s32 $0x5, s14;
	v47 =	vor.u32 s10, v0;
	v8 =	vld.idx.msk [tilespmem:v8+s4+$0x0], $0xffff;
	[tilespmem:s17+$0x0] =	vst v6  }
0x121: {  	s30 =	sadd.s32 $0x6, s14;
	s19 =	sadd.s32 $0x100, s17;
	s12 =	sadd.s32 $0xFFFFFFC0, s2;
	v48 =	vor.u32 s11, v0;
	v10 =	vld.idx.msk [tilespmem:v41+s4+$0x0], $0xffff;
	[tilespmem:s17+$0x20] =	vst v42  }
0x122: {  	s18 =	sadd.s32 $0xFFFFFFE0, s2;
	v50 =	vor.u32 s30, v0;
	s12 =	sor.u32 $0x30, s12;
	v49 =	vld.idx.msk [tilespmem:v43+s4+$0x0], $0xffff;
	[tilespmem:s19+$0xFFFFFF90] =	vst v3  }
0x123: {  	v52 =	vor.u32 s0, v1;
	s18 =	sor.u32 $0x50, s18;
	v51 =	vld.idx.msk [tilespmem:v45+s4+$0x0], $0xffff;
	[tilespmem:s12+$0x4000] =	vst v44  }
0x124: {  	v53 =	vld.idx.msk [tilespmem:v46+s4+$0x0], $0xffff;
	[tilespmem:s18+$0x4000] =	vst v2;
	v2 =	vor.u32 s7, v1  }
0x125: {  	v54 =	vor.u32 s9, v1;
	v4 =	vld.idx.msk [tilespmem:v47+s4+$0x0], $0xffff;
	[tilespmem:s17+$0xFFFFFFA0] =	vst v8  }
0x126: {  	v55 =	vor.u32 s26, v1;
	v5 =	vld.idx.msk [tilespmem:v48+s4+$0x0], $0xffff;
	[tilespmem:s19+$0x70] =	vst v10  }
0x127: {  	v57 =	vor.u32 s10, v1;
	v56 =	vld.idx.msk [tilespmem:v50+s4+$0x0], $0xffff;
	[tilespmem:s19+$0xFFFFFFB0] =	vst v49  }
0x128: {  	v59 =	vor.u32 s11, v1;
	v58 =	vld.idx.msk [tilespmem:v52+s4+$0x0], $0xffff;
	[tilespmem:s19+$0xFFFFFFD0] =	vst v51  }
0x129: {  	v60 =	vor.u32 s30, v1;
	[tilespmem:s19+$0xFFFFFFF0] =	vst v53;
	v2 =	vld.idx.msk [tilespmem:v2+s4+$0x0], $0xffff  }
0x12a: {  	v62 =	vor.u32 s14, v1;
	[tilespmem:s19+$0x10] =	vst v4;
	v61 =	vld.idx.msk [tilespmem:v54+s4+$0x0], $0xffff  }
0x12b: {  	s2 =	sadd.s32 $0x100, s2;
	[tilespmem:s19+$0x30] =	vst v5;
	v63 =	vld.idx.msk [tilespmem:v55+s4+$0x0], $0xffff  }
0x12c: {  	s20 =	sor.u32 $0x70, s2;
	[tilespmem:s19+$0x50] =	vst v56;
	v6 =	vld.idx.msk [tilespmem:v57+s4+$0x0], $0xffff  }
0x12d: {  	v9 =	vld.idx.msk [tilespmem:v59+s4+$0x0], $0xffff;
	[tilespmem:s20+$0x4000] =	vst v58  }
0x12e: {  	v3 =	vld.idx.msk [tilespmem:v60+s4+$0x0], $0xffff;
	[tilespmem:s19+$0xFFFFFFC0] =	vst v2  }
0x12f: {  	v2 =	vld.idx.msk [tilespmem:v62+s4+$0x0], $0xffff;
	[tilespmem:s19+$0xFFFFFFE0] =	vst v61  }
0x130: {  	s25 =	sadd.s32 $0xFFFFFFC0, s2;
	[tilespmem:s19+$0x0] =	vst v63  }
0x131: {  	s2 =	sadd.s32 $0xFFFFFFE0, s2;
	s3 =	sor.u32 $0x30, s25;
	[tilespmem:s19+$0x20] =	vst v6  }
0x132: {  	s2 =	sor.u32 $0x50, s2;
	[tilespmem:s3+$0x4000] =	vst v9  }
0x133: {  	[tilespmem:s2+$0x4000] =	vst v3  }
0x134: {  	s26 =	simm.s32 $0x4000;
	[tilespmem:s19+$0xFFFFFFA0] =	vst v2  }
.Ltmp11:
0x135: {  	s30 =	simm.s32 $0x5;
	s0 =	rddreg [dreg:$0x4];
	(pc) =	sbr.rel .LBB2_15-.Ltmp11, $4  }
0x136: {  	[hbm4b:s0+s4] =	stream.linear.scatter [tilespmem:s26], [sflag:$0x5], $0x800, $0x38;
	[tilespmem:$0x6000] =	vst v63  }
0x137: {  	_ =	swait.ge [sflag:s30], $0x800  }
0x138: {  	[sflag:s30] =	ssyncset.done $0x0  }
0x139: {  	s2 =	rddreg [dreg:$0xe];
	[sflag:s30] =	ssyncadd.s32 $0xFFFFF800  }
.LBB2_16:
0x13a: {  	_ =	sfence.sel $0x180000  }
0x13b: {  	[bflag:$0x0] =	sbarrier.arrive $0xFFFF  }
0x13c: {  	_ =	strace $0x90000047  }
0x13d: {  	s0 =	stileid.u32;
	[bflag:$0x2] =	sbarrier.arrive $0xFFFF  }
0x13e: {  	p0 =	sne.s32 s0, $0x0;
	s0 =	rddreg [dreg:$0x2]  }
0x13f: {  	s0 =	sadd.s32 @!p0 $0x100000, s0  }
0x140: {  	[sflag:s0] =	ssyncadd.tile.s32 @!p0 $0x1;
	_ =	shalt  }
.Lfunc_end2:
_tile_overlayer_lowered:
.L_overlay_start_2:
0x141: {  	(tag) =	ssettag $0x2  }
0x142: {  	s0 =	rddreg [dreg:$0x0];
	s2 =	stileid.u32  }
0x143: {  	s1 =	rddreg [dreg:$0x1];
	p0 =	sne.s32 s2, $0x0  }
0x144: {  	s3 =	rddreg [dreg:$0x2];
	[bflag:$0x3] =	sbarrier.arrive $0xFFFF;
	s2 =	simm.s32 @!p0 $0x1C05  }
0x145: {  	[timem:s3], [sflag:s2] =	dma.local @!p0 [hbm:s0], s1  }
0x146: {  	s0 =	simm.s32 @!p0 $0x5  }
0x147: {  	_ =	swait.ge @!p0 [sflag:s0], s1  }
0x148: {  	s1 =	ssub.s32 @!p0 $0x0, s1;
	[sflag:s0] =	ssyncset.done @!p0 $0x0  }
0x149: {  	[sflag:s0] =	ssyncadd.s32 @!p0 s1  }
0x14a: {  	[bflag:$0x3] =	sbarrier.arrive $0xFFFF  }
0x14b: {  	_ =	shalt  }

</sc_bundles>
